<compile_context>
chip_gen: v7x
topology: tpu7x:2x2x1
jax: 0.10.2.dev20260603
libtpu: 0.0.44.dev20260713+nightly
codegen_flags: <defaults>
</compile_context>

<pallas_src>
import jax
import jax.numpy as jnp
from jax import lax
from jax.experimental import pallas as pl
from jax.experimental.pallas import tpu as pltpu
from jax.experimental.pallas import tpu_sc as plsc

N = 10000
H = 10000
E = 320000
D = 128

NC = 2
NS = 16
NW = NC * NS

K = 125
CHUNKS = E // K
CPW = CHUNKS // NW
SEG = 40
NSEG = CPW // SEG
RPT = 624
TAIL = H - NS * RPT
HC = 10240
CRPT = HC // NS

_mesh = plsc.VectorSubcoreMesh(core_axis_name="c", subcore_axis_name="s")


def _sliced_copy(sid, src_at, dst_at):
    r0 = sid * RPT
    pltpu.sync_copy(src_at(r0, RPT), dst_at(r0, RPT))

    @pl.when(sid == NS - 1)
    def _():
        pltpu.sync_copy(src_at(NS * RPT, TAIL), dst_at(NS * RPT, TAIL))


def _sc_pass(with_counts):

    def body(*refs):
        if with_counts:
            (tbl, gidx2, sidx2, zrows, z1d, ones1,
             psum, scnt_o, gcnt_o,
             acc, scnt, gcnt, gia, sia, rows, ones_v, sem) = refs
        else:
            (tbl, gidx2, sidx2, zrows,
             psum,
             acc, gia, sia, rows, sem) = refs
        cid = lax.axis_index("c")
        sid = lax.axis_index("s")
        wid = sid * NC + cid

        _sliced_copy(sid, lambda r, n: zrows.at[pl.ds(r, n)],
                     lambda r, n: acc.at[pl.ds(r, n)])
        if with_counts:
            w0 = sid * CRPT
            pltpu.sync_copy(z1d.at[pl.ds(w0, CRPT)], scnt.at[pl.ds(w0, CRPT)])
            pltpu.sync_copy(z1d.at[pl.ds(w0, CRPT)], gcnt.at[pl.ds(w0, CRPT)])
            pltpu.sync_copy(ones1, ones_v)
        c0 = wid * CPW
        plsc.subcore_barrier()

        def seg(s, carry):
            sb = c0 + s * SEG
            pltpu.sync_copy(gidx2.at[pl.ds(sb, SEG)], gia)
            pltpu.sync_copy(sidx2.at[pl.ds(sb, SEG)], sia)
            pltpu.async_copy(tbl.at[gia.at[0]], rows.at[0], sem)

            def chunk(i, c2):
                buf = lax.rem(i, 2)

                @pl.when(i + 1 < SEG)
                def _():
                    pltpu.async_copy(tbl.at[gia.at[i + 1]],
                                     rows.at[lax.rem(i + 1, 2)], sem)

                pltpu.make_async_copy(tbl.at[gia.at[i]], rows.at[buf],
                                      sem).wait()
                pltpu.sync_copy(rows.at[buf], acc.at[sia.at[i]], add=True)
                if with_counts:
                    pltpu.sync_copy(ones_v, scnt.at[sia.at[i]], add=True)
                    pltpu.sync_copy(ones_v, gcnt.at[gia.at[i]], add=True)
                return c2

            lax.fori_loop(0, SEG, chunk, 0)
            return carry

        lax.fori_loop(0, NSEG, seg, 0)
        plsc.subcore_barrier()

        _sliced_copy(sid, lambda r, n: acc.at[pl.ds(r, n)],
                     lambda r, n: psum.at[cid, pl.ds(r, n)])
        if with_counts:
            ob = cid * HC + w0
            pltpu.sync_copy(scnt.at[pl.ds(w0, CRPT)],
                            scnt_o.at[pl.ds(ob, CRPT)])
            pltpu.sync_copy(gcnt.at[pl.ds(w0, CRPT)],
                            gcnt_o.at[pl.ds(ob, CRPT)])

    if with_counts:
        out_type = (jax.ShapeDtypeStruct((2, H, D), jnp.float32),
                    jax.ShapeDtypeStruct((2 * HC,), jnp.float32),
                    jax.ShapeDtypeStruct((2 * HC,), jnp.float32))
        scratch = [pltpu.VMEM_SHARED((H, D), jnp.float32),
                   pltpu.VMEM_SHARED((HC,), jnp.float32),
                   pltpu.VMEM_SHARED((HC,), jnp.float32),
                   pltpu.VMEM((SEG, K), jnp.int32),
                   pltpu.VMEM((SEG, K), jnp.int32),
                   pltpu.VMEM((2, K, D), jnp.float32),
                   pltpu.VMEM((K,), jnp.float32),
                   pltpu.SemaphoreType.DMA]
    else:
        out_type = jax.ShapeDtypeStruct((2, H, D), jnp.float32)
        scratch = [pltpu.VMEM_SHARED((H, D), jnp.float32),
                   pltpu.VMEM((SEG, K), jnp.int32),
                   pltpu.VMEM((SEG, K), jnp.int32),
                   pltpu.VMEM((2, K, D), jnp.float32),
                   pltpu.SemaphoreType.DMA]
    return pl.kernel(body, out_type=out_type, mesh=_mesh,
                     scratch_types=scratch)


def _combine(psum, c0v, c1v):
    BLK = 1000
    G = H // BLK

    def body(p0, p1, c0, c1, o):
        c = c0[...] + c1[...]
        o[...] = (p0[0] + p1[0]) * (1.0 / jnp.maximum(c, 1.0))

    return pl.pallas_call(
        body,
        grid=(G,),
        in_specs=[pl.BlockSpec((1, BLK, D), lambda i: (0, i, 0)),
                  pl.BlockSpec((1, BLK, D), lambda i: (1, i, 0)),
                  pl.BlockSpec((BLK, 1), lambda i: (i, 0)),
                  pl.BlockSpec((BLK, 1), lambda i: (i, 0))],
        out_specs=pl.BlockSpec((BLK, D), lambda i: (i, 0)),
        out_shape=jax.ShapeDtypeStruct((H, D), jnp.float32),
    )(psum, psum, c0v, c1v)


def _final(x, npsum, c0v, c1v, W, b2):
    BLK = 1000
    G = N // BLK

    def body(xr, p0, p1, c0, c1, wr, br, o):
        c = c0[...] + c1[...]
        nf = (p0[0] + p1[0]) * (1.0 / jnp.maximum(c, 1.0))
        w = wr[...]
        out = (jnp.dot(xr[...], w[:D], preferred_element_type=jnp.float32,
                       precision=lax.Precision.HIGHEST)
               + jnp.dot(nf, w[D:], preferred_element_type=jnp.float32,
                         precision=lax.Precision.HIGHEST)
               + br[...])
        s = jnp.sum(out * out, axis=1, keepdims=True)
        o[...] = out / jnp.sqrt(s)

    return pl.pallas_call(
        body,
        grid=(G,),
        in_specs=[pl.BlockSpec((BLK, D), lambda i: (i, 0)),
                  pl.BlockSpec((1, BLK, D), lambda i: (0, i, 0)),
                  pl.BlockSpec((1, BLK, D), lambda i: (1, i, 0)),
                  pl.BlockSpec((BLK, 1), lambda i: (i, 0)),
                  pl.BlockSpec((BLK, 1), lambda i: (i, 0)),
                  pl.BlockSpec((2 * D, D), lambda i: (0, 0)),
                  pl.BlockSpec((1, D), lambda i: (0, 0))],
        out_specs=pl.BlockSpec((BLK, D), lambda i: (i, 0)),
        out_shape=jax.ShapeDtypeStruct((N, D), jnp.float32),
    )(x, npsum, npsum, c0v, c1v, W, b2)


def kernel(x, h_edge_index, W, b):
    he2 = h_edge_index[0].reshape(CHUNKS, K)
    nd2 = h_edge_index[1].reshape(CHUNKS, K)
    zrows = jnp.zeros((H, D), jnp.float32)
    z1d = jnp.zeros((HC,), jnp.float32)
    ones1 = jnp.ones((K,), jnp.float32)

    epsum, hcnt, ncnt = _sc_pass(True)(x, nd2, he2, zrows, z1d, ones1)
    hc0 = hcnt[:H].reshape(H, 1)
    hc1 = hcnt[HC:HC + H].reshape(H, 1)
    nc0 = ncnt[:N].reshape(N, 1)
    nc1 = ncnt[HC:HC + N].reshape(N, 1)
    edge_agg = _combine(epsum, hc0, hc1)
    npsum = _sc_pass(False)(edge_agg, he2, nd2, zrows)
    return _final(x, npsum, nc0, nc1, W, b.reshape(1, D))

# --- scband reference (transcript-rebuilt; emitter-appended) ---
"""Pipeline reference for scband-hyper-gnnconv-10376640987275 (READ-ONLY COPY).

The authoritative reference and input builder live on the scoring server;
editing this copy changes nothing except your own understanding.
"""

import jax, jax.numpy as jnp
import numpy as np

N_NODES = 10000
N_EDGES = 320000
N_HYPEREDGES = 10000
D_IN = 128
D_OUT = 128


def setup_inputs(seed: int = 0) -> dict:
    key = jax.random.key(seed)
    k1, k2, k3, k4 = jax.random.split(key, 4)
    x = jax.random.normal(k1, (N_NODES, D_IN), dtype=jnp.float32)
    h_edge_index = jax.random.randint(k2, (2, N_EDGES), 0, N_HYPEREDGES, dtype=jnp.int32)
    # node_net: Linear(in_dim + in_dim, out_dim) since hidden_dim=0, ef_dim=0
    W = jax.random.normal(k3, (2 * D_IN, D_OUT), dtype=jnp.float32) * 0.02
    b = jnp.zeros((D_OUT,), dtype=jnp.float32)
    return {"x": x, "h_edge_index": h_edge_index, "W": W, "b": b}


def reference(x, h_edge_index, W, b):
    he_ids = h_edge_index[0]
    node_ids = h_edge_index[1]
    # --- hyperedge aggregation: scatter-mean node feats into hyperedges ---
    src = x[node_ids]                                    # gather [E, D]
    edge_sum = jax.ops.segment_sum(src, he_ids, num_segments=N_HYPEREDGES)
    edge_cnt = jax.ops.segment_sum(jnp.ones((src.shape[0], 1), dtype=x.dtype), he_ids, num_segments=N_HYPEREDGES)
    h_edge_aggr_feats = edge_sum / jnp.maximum(edge_cnt, 1.0)
    # --- node aggregation (MP with mean): gather hyperedge feats, scatter-mean to nodes ---
    msg = h_edge_aggr_feats[he_ids]                      # gather [E, D]
    node_sum = jax.ops.segment_sum(msg, node_ids, num_segments=N_NODES)
    node_cnt = jax.ops.segment_sum(jnp.ones((msg.shape[0], 1), dtype=x.dtype), node_ids, num_segments=N_NODES)
    node_feats = node_sum / jnp.maximum(node_cnt, 1.0)   # [:x.size(0)] handled by num_segments=N_NODES
    # --- node_net + L2 row-normalization ---
    out = jnp.concatenate([x, node_feats], axis=1) @ W + b
    norm = jnp.linalg.norm(out, axis=1, keepdims=True)
    return out / norm

if __name__ == "__main__":
    import jax
    _d = setup_inputs()
    print(jax.jit(kernel)(*tuple(_d.values())))

</pallas_src>

<mosaic_0001>
#map = affine_map<(d0, d1) -> (0, 0)>
#map1 = affine_map<(d0, d1) -> (0, 0, 0)>
module attributes {stable_mosaic.version = 14 : i64} {
  func.func @body(%arg0: i32, %arg1: i32, %arg2: memref<10000x128xf32, #tpu.memory_space<hbm>>, %arg3: memref<2560x125xi32, #tpu.memory_space<hbm>>, %arg4: memref<2560x125xi32, #tpu.memory_space<hbm>>, %arg5: memref<10000x128xf32, #tpu.memory_space<hbm>>, %arg6: memref<2x10000x128xf32, #tpu.memory_space<hbm>>, %arg7: memref<10000x128xf32, #tpu.memory_space<vmem_shared>>, %arg8: memref<40x125xi32, #tpu.memory_space<vmem>>, %arg9: memref<40x125xi32, #tpu.memory_space<vmem>>, %arg10: memref<2x125x128xf32, #tpu.memory_space<vmem>>, %arg11: memref<!tpu.dma_semaphore, #tpu.memory_space<semaphore_mem>>) attributes {dimension_semantics = [#tpu.dimension_semantics<core_parallel>, #tpu.dimension_semantics<subcore_parallel>], iteration_bounds = array<i64: 2, 16>, scalar_prefetch = 0 : i64, scratch_operands = 5 : i64, tpu.core_type = #tpu.core_type<sc_vector_subcore>, window_params = [{transform_indices = #map}, {transform_indices = #map}, {transform_indices = #map}, {transform_indices = #map}, {transform_indices = #map1}]} {
    %mul3A = arith.constant 2 : i32
    %mul3A_0 = arith.muli %arg1, %mul3A : i32
    %add3A = arith.addi %mul3A_0, %arg0 : i32
    %mul3A_1 = arith.constant 624 : i32
    %mul3A_2 = arith.muli %arg1, %mul3A_1 : i32
    "tpu.region"() ({
      %run_scoped3A = tpu.sem_alloc : memref<!tpu.dma_semaphore, #tpu.memory_space<semaphore_mem>>
      %dma_start3A = arith.constant 0 : i32
      %dma_start3A_20 = tpu.memref_slice %arg7[%mul3A_2, %dma_start3A] : memref<10000x128xf32, #tpu.memory_space<vmem_shared>> -> memref<624x128xf32, #tpu.memory_space<vmem_shared>>
      %dma_start3A_21 = arith.constant 0 : i32
      %dma_start3A_22 = tpu.memref_slice %arg5[%mul3A_2, %dma_start3A_21] : memref<10000x128xf32, #tpu.memory_space<hbm>> -> memref<624x128xf32, #tpu.memory_space<hbm>>
      tpu.enqueue_dma source(%dma_start3A_22 : memref<624x128xf32, #tpu.memory_space<hbm>>) target(%dma_start3A_20 : memref<624x128xf32, #tpu.memory_space<vmem_shared>>) target_semaphore(%run_scoped3A : memref<!tpu.dma_semaphore, #tpu.memory_space<semaphore_mem>>)
      %dma_wait3A = arith.constant 0 : i32
      %dma_wait3A_23 = tpu.memref_slice %arg7[%mul3A_2, %dma_wait3A] : memref<10000x128xf32, #tpu.memory_space<vmem_shared>> -> memref<624x128xf32, #tpu.memory_space<vmem_shared>>
      %dma_wait3A_24 = arith.constant 0 : i32
      %dma_wait3A_25 = tpu.memref_slice %arg5[%mul3A_2, %dma_wait3A_24] : memref<10000x128xf32, #tpu.memory_space<hbm>> -> memref<624x128xf32, #tpu.memory_space<hbm>>
      tpu.wait_dma2 semaphore(%run_scoped3A : memref<!tpu.dma_semaphore, #tpu.memory_space<semaphore_mem>>) src(%dma_wait3A_25 : memref<624x128xf32, #tpu.memory_space<hbm>>) dst(%dma_wait3A_23 : memref<624x128xf32, #tpu.memory_space<vmem_shared>>)
      tpu.yield
    }) : () -> ()
    %eq3A = arith.constant 15 : i32
    %eq3A_3 = arith.cmpi eq, %arg1, %eq3A : i32
    %convert_element_type3A = arith.extui %eq3A_3 : i1 to i32
    %cond3A = arith.constant 0 : i32
    %cond3A_4 = arith.cmpi ne, %convert_element_type3A, %cond3A : i32
    scf.if %cond3A_4 {
      "tpu.region"() ({
        %run_scoped3A = tpu.sem_alloc : memref<!tpu.dma_semaphore, #tpu.memory_space<semaphore_mem>>
        %dma_start3A = arith.constant 9984 : i32
        %dma_start3A_20 = arith.constant 0 : i32
        %dma_start3A_21 = tpu.memref_slice %arg7[%dma_start3A, %dma_start3A_20] : memref<10000x128xf32, #tpu.memory_space<vmem_shared>> -> memref<16x128xf32, #tpu.memory_space<vmem_shared>>
        %dma_start3A_22 = arith.constant 9984 : i32
        %dma_start3A_23 = arith.constant 0 : i32
        %dma_start3A_24 = tpu.memref_slice %arg5[%dma_start3A_22, %dma_start3A_23] : memref<10000x128xf32, #tpu.memory_space<hbm>> -> memref<16x128xf32, #tpu.memory_space<hbm>>
        tpu.enqueue_dma source(%dma_start3A_24 : memref<16x128xf32, #tpu.memory_space<hbm>>) target(%dma_start3A_21 : memref<16x128xf32, #tpu.memory_space<vmem_shared>>) target_semaphore(%run_scoped3A : memref<!tpu.dma_semaphore, #tpu.memory_space<semaphore_mem>>)
        %dma_wait3A = arith.constant 9984 : i32
        %dma_wait3A_25 = arith.constant 0 : i32
        %dma_wait3A_26 = tpu.memref_slice %arg7[%dma_wait3A, %dma_wait3A_25] : memref<10000x128xf32, #tpu.memory_space<vmem_shared>> -> memref<16x128xf32, #tpu.memory_space<vmem_shared>>
        %dma_wait3A_27 = arith.constant 9984 : i32
        %dma_wait3A_28 = arith.constant 0 : i32
        %dma_wait3A_29 = tpu.memref_slice %arg5[%dma_wait3A_27, %dma_wait3A_28] : memref<10000x128xf32, #tpu.memory_space<hbm>> -> memref<16x128xf32, #tpu.memory_space<hbm>>
        tpu.wait_dma2 semaphore(%run_scoped3A : memref<!tpu.dma_semaphore, #tpu.memory_space<semaphore_mem>>) src(%dma_wait3A_29 : memref<16x128xf32, #tpu.memory_space<hbm>>) dst(%dma_wait3A_26 : memref<16x128xf32, #tpu.memory_space<vmem_shared>>)
        tpu.yield
      }) : () -> ()
    } else {
    }
    %mul3A_5 = arith.constant 80 : i32
    %mul3A_6 = arith.muli %add3A, %mul3A_5 : i32
    %barrier3A = arith.constant 0 : index
    tpu.barrier barrier_id(%barrier3A)
    %scan3A = arith.constant 0 : i32
    %scan3A_7 = arith.constant 0 : i32
    %scan3A_8 = arith.constant 2 : i32
    %scan3A_9 = arith.addi %scan3A_7, %scan3A_8 : i32
    %scan3A_10 = arith.constant 1 : i32
    scf.for %scan3A_20 = %scan3A_7 to %scan3A_9 step %scan3A_10  : i32 {
      %mul3A_21 = arith.constant 40 : i32
      %mul3A_22 = arith.muli %scan3A_20, %mul3A_21 : i32
      %add3A_23 = arith.addi %mul3A_6, %mul3A_22 : i32
      "tpu.region"() ({
        %run_scoped3A = tpu.sem_alloc : memref<!tpu.dma_semaphore, #tpu.memory_space<semaphore_mem>>
        %dma_start3A_41 = arith.constant 0 : i32
        %dma_start3A_42 = tpu.memref_slice %arg3[%add3A_23, %dma_start3A_41] : memref<2560x125xi32, #tpu.memory_space<hbm>> -> memref<40x125xi32, #tpu.memory_space<hbm>>
        %dma_start3A_43 = arith.constant 0 : i32
        %dma_start3A_44 = tpu.memref_slice %arg3[%add3A_23, %dma_start3A_43] : memref<2560x125xi32, #tpu.memory_space<hbm>> -> memref<40x125xi32, #tpu.memory_space<hbm>>
        tpu.enqueue_dma source(%dma_start3A_44 : memref<40x125xi32, #tpu.memory_space<hbm>>) target(%arg8 : memref<40x125xi32, #tpu.memory_space<vmem>>) target_semaphore(%run_scoped3A : memref<!tpu.dma_semaphore, #tpu.memory_space<semaphore_mem>>)
        %dma_wait3A = arith.constant 0 : i32
        %dma_wait3A_45 = tpu.memref_slice %arg3[%add3A_23, %dma_wait3A] : memref<2560x125xi32, #tpu.memory_space<hbm>> -> memref<40x125xi32, #tpu.memory_space<hbm>>
        %dma_wait3A_46 = arith.constant 0 : i32
        %dma_wait3A_47 = tpu.memref_slice %arg3[%add3A_23, %dma_wait3A_46] : memref<2560x125xi32, #tpu.memory_space<hbm>> -> memref<40x125xi32, #tpu.memory_space<hbm>>
        tpu.wait_dma2 semaphore(%run_scoped3A : memref<!tpu.dma_semaphore, #tpu.memory_space<semaphore_mem>>) src(%dma_wait3A_47 : memref<40x125xi32, #tpu.memory_space<hbm>>) dst(%arg8 : memref<40x125xi32, #tpu.memory_space<vmem>>)
        tpu.yield
      }) : () -> ()
      "tpu.region"() ({
        %run_scoped3A = tpu.sem_alloc : memref<!tpu.dma_semaphore, #tpu.memory_space<semaphore_mem>>
        %dma_start3A_41 = arith.constant 0 : i32
        %dma_start3A_42 = tpu.memref_slice %arg4[%add3A_23, %dma_start3A_41] : memref<2560x125xi32, #tpu.memory_space<hbm>> -> memref<40x125xi32, #tpu.memory_space<hbm>>
        %dma_start3A_43 = arith.constant 0 : i32
        %dma_start3A_44 = tpu.memref_slice %arg4[%add3A_23, %dma_start3A_43] : memref<2560x125xi32, #tpu.memory_space<hbm>> -> memref<40x125xi32, #tpu.memory_space<hbm>>
        tpu.enqueue_dma source(%dma_start3A_44 : memref<40x125xi32, #tpu.memory_space<hbm>>) target(%arg9 : memref<40x125xi32, #tpu.memory_space<vmem>>) target_semaphore(%run_scoped3A : memref<!tpu.dma_semaphore, #tpu.memory_space<semaphore_mem>>)
        %dma_wait3A = arith.constant 0 : i32
        %dma_wait3A_45 = tpu.memref_slice %arg4[%add3A_23, %dma_wait3A] : memref<2560x125xi32, #tpu.memory_space<hbm>> -> memref<40x125xi32, #tpu.memory_space<hbm>>
        %dma_wait3A_46 = arith.constant 0 : i32
        %dma_wait3A_47 = tpu.memref_slice %arg4[%add3A_23, %dma_wait3A_46] : memref<2560x125xi32, #tpu.memory_space<hbm>> -> memref<40x125xi32, #tpu.memory_space<hbm>>
        tpu.wait_dma2 semaphore(%run_scoped3A : memref<!tpu.dma_semaphore, #tpu.memory_space<semaphore_mem>>) src(%dma_wait3A_47 : memref<40x125xi32, #tpu.memory_space<hbm>>) dst(%arg9 : memref<40x125xi32, #tpu.memory_space<vmem>>)
        tpu.yield
      }) : () -> ()
      %dma_start3A = arith.constant 0 : i32
      %dma_start3A_24 = arith.constant 0 : i32
      %dma_start3A_25 = arith.constant 0 : i32
      %dma_start3A_26 = arith.constant 0 : i32
      %dma_start3A_27 = tpu.memref_slice %arg10[%dma_start3A_24, %dma_start3A_25, %dma_start3A_26] : memref<2x125x128xf32, #tpu.memory_space<vmem>> -> memref<1x125x128xf32, #tpu.memory_space<vmem>>
      %dma_start3A_28 = tpu.memref_squeeze %dma_start3A_27 : memref<1x125x128xf32, #tpu.memory_space<vmem>> -> memref<125x128xf32, #tpu.memory_space<vmem>>
      %dma_start3A_29 = arith.constant 0 : i32
      %dma_start3A_30 = tpu.memref_slice %arg8[%dma_start3A, %dma_start3A_29] : memref<40x125xi32, #tpu.memory_space<vmem>> -> memref<1x125xi32, #tpu.memory_space<vmem>>
      %dma_start3A_31 = tpu.memref_squeeze %dma_start3A_30 : memref<1x125xi32, #tpu.memory_space<vmem>> -> memref<125xi32, #tpu.memory_space<vmem>>
      %dma_start3A_32 = arith.constant 0 : i32
      %dma_start3A_33 = arith.constant 0 : i32
      %dma_start3A_34 = tpu.memref_slice %arg2[%dma_start3A_32, %dma_start3A_33] : memref<10000x128xf32, #tpu.memory_space<hbm>> -> memref<10000x128xf32, #tpu.memory_space<hbm>>
      tpu.enqueue_indirect_dma source(%dma_start3A_34 : memref<10000x128xf32, #tpu.memory_space<hbm>>) target(%dma_start3A_28 : memref<125x128xf32, #tpu.memory_space<vmem>>) offsets(%dma_start3A_31 : memref<125xi32, #tpu.memory_space<vmem>>) semaphore(%arg11 : memref<!tpu.dma_semaphore, #tpu.memory_space<semaphore_mem>>)
      %scan3A_35 = arith.constant 0 : i32
      %scan3A_36 = arith.constant 0 : i32
      %scan3A_37 = arith.constant 40 : i32
      %scan3A_38 = arith.addi %scan3A_36, %scan3A_37 : i32
      %scan3A_39 = arith.constant 1 : i32
      scf.for %scan3A_41 = %scan3A_36 to %scan3A_38 step %scan3A_39  : i32 {
        %rem3A = arith.constant 2 : i32
        %rem3A_42 = arith.remsi %scan3A_41, %rem3A : i32
        %add3A_43 = arith.constant 1 : i32
        %add3A_44 = arith.addi %scan3A_41, %add3A_43 : i32
        %lt3A = arith.constant 40 : i32
        %lt3A_45 = arith.cmpi slt, %add3A_44, %lt3A : i32
        %convert_element_type3A_46 = arith.extui %lt3A_45 : i1 to i32
        %cond3A_47 = arith.constant 0 : i32
        %cond3A_48 = arith.cmpi ne, %convert_element_type3A_46, %cond3A_47 : i32
        scf.if %cond3A_48 {
          %add3A_58 = arith.constant 1 : i32
          %add3A_59 = arith.addi %scan3A_41, %add3A_58 : i32
          %add3A_60 = arith.constant 1 : i32
          %add3A_61 = arith.addi %scan3A_41, %add3A_60 : i32
          %rem3A_62 = arith.constant 2 : i32
          %rem3A_63 = arith.remsi %add3A_61, %rem3A_62 : i32
          %dma_start3A_64 = arith.constant 0 : i32
          %dma_start3A_65 = arith.constant 0 : i32
          %dma_start3A_66 = tpu.memref_slice %arg10[%rem3A_63, %dma_start3A_64, %dma_start3A_65] : memref<2x125x128xf32, #tpu.memory_space<vmem>> -> memref<1x125x128xf32, #tpu.memory_space<vmem>>
          %dma_start3A_67 = tpu.memref_squeeze %dma_start3A_66 : memref<1x125x128xf32, #tpu.memory_space<vmem>> -> memref<125x128xf32, #tpu.memory_space<vmem>>
          %dma_start3A_68 = arith.constant 0 : i32
          %dma_start3A_69 = tpu.memref_slice %arg8[%add3A_59, %dma_start3A_68] : memref<40x125xi32, #tpu.memory_space<vmem>> -> memref<1x125xi32, #tpu.memory_space<vmem>>
          %dma_start3A_70 = tpu.memref_squeeze %dma_start3A_69 : memref<1x125xi32, #tpu.memory_space<vmem>> -> memref<125xi32, #tpu.memory_space<vmem>>
          %dma_start3A_71 = arith.constant 0 : i32
          %dma_start3A_72 = arith.constant 0 : i32
          %dma_start3A_73 = tpu.memref_slice %arg2[%dma_start3A_71, %dma_start3A_72] : memref<10000x128xf32, #tpu.memory_space<hbm>> -> memref<10000x128xf32, #tpu.memory_space<hbm>>
          tpu.enqueue_indirect_dma source(%dma_start3A_73 : memref<10000x128xf32, #tpu.memory_space<hbm>>) target(%dma_start3A_67 : memref<125x128xf32, #tpu.memory_space<vmem>>) offsets(%dma_start3A_70 : memref<125xi32, #tpu.memory_space<vmem>>) semaphore(%arg11 : memref<!tpu.dma_semaphore, #tpu.memory_space<semaphore_mem>>)
        } else {
        }
        %dma_wait3A = arith.constant 0 : i32
        %dma_wait3A_49 = arith.constant 0 : i32
        %dma_wait3A_50 = tpu.memref_slice %arg10[%rem3A_42, %dma_wait3A, %dma_wait3A_49] : memref<2x125x128xf32, #tpu.memory_space<vmem>> -> memref<1x125x128xf32, #tpu.memory_space<vmem>>
        %dma_wait3A_51 = tpu.memref_squeeze %dma_wait3A_50 : memref<1x125x128xf32, #tpu.memory_space<vmem>> -> memref<125x128xf32, #tpu.memory_space<vmem>>
        %dma_wait3A_52 = arith.constant 0 : i32
        %dma_wait3A_53 = tpu.memref_slice %arg8[%scan3A_41, %dma_wait3A_52] : memref<40x125xi32, #tpu.memory_space<vmem>> -> memref<1x125xi32, #tpu.memory_space<vmem>>
        %dma_wait3A_54 = tpu.memref_squeeze %dma_wait3A_53 : memref<1x125xi32, #tpu.memory_space<vmem>> -> memref<125xi32, #tpu.memory_space<vmem>>
        %dma_wait3A_55 = arith.constant 0 : i32
        %dma_wait3A_56 = arith.constant 0 : i32
        %dma_wait3A_57 = tpu.memref_slice %arg2[%dma_wait3A_55, %dma_wait3A_56] : memref<10000x128xf32, #tpu.memory_space<hbm>> -> memref<10000x128xf32, #tpu.memory_space<hbm>>
        tpu.wait_indirect_dma semaphore(%arg11 : memref<!tpu.dma_semaphore, #tpu.memory_space<semaphore_mem>>) src(%dma_wait3A_57 : memref<10000x128xf32, #tpu.memory_space<hbm>>) dst(%dma_wait3A_51 : memref<125x128xf32, #tpu.memory_space<vmem>>)
        "tpu.region"() ({
          %run_scoped3A = tpu.sem_alloc : memref<!tpu.dma_semaphore, #tpu.memory_space<semaphore_mem>>
          %dma_start3A_58 = arith.constant 0 : i32
          %dma_start3A_59 = arith.constant 0 : i32
          %dma_start3A_60 = tpu.memref_slice %arg10[%rem3A_42, %dma_start3A_58, %dma_start3A_59] : memref<2x125x128xf32, #tpu.memory_space<vmem>> -> memref<1x125x128xf32, #tpu.memory_space<vmem>>
          %dma_start3A_61 = tpu.memref_squeeze %dma_start3A_60 : memref<1x125x128xf32, #tpu.memory_space<vmem>> -> memref<125x128xf32, #tpu.memory_space<vmem>>
          %dma_start3A_62 = arith.constant 0 : i32
          %dma_start3A_63 = tpu.memref_slice %arg9[%scan3A_41, %dma_start3A_62] : memref<40x125xi32, #tpu.memory_space<vmem>> -> memref<1x125xi32, #tpu.memory_space<vmem>>
          %dma_start3A_64 = tpu.memref_squeeze %dma_start3A_63 : memref<1x125xi32, #tpu.memory_space<vmem>> -> memref<125xi32, #tpu.memory_space<vmem>>
          %dma_start3A_65 = arith.constant 0 : i32
          %dma_start3A_66 = arith.constant 0 : i32
          %dma_start3A_67 = tpu.memref_slice %arg7[%dma_start3A_65, %dma_start3A_66] : memref<10000x128xf32, #tpu.memory_space<vmem_shared>> -> memref<10000x128xf32, #tpu.memory_space<vmem_shared>>
          tpu.enqueue_indirect_dma source(%dma_start3A_61 : memref<125x128xf32, #tpu.memory_space<vmem>>) target(%dma_start3A_67 : memref<10000x128xf32, #tpu.memory_space<vmem_shared>>) offsets(%dma_start3A_64 : memref<125xi32, #tpu.memory_space<vmem>>) semaphore(%run_scoped3A : memref<!tpu.dma_semaphore, #tpu.memory_space<semaphore_mem>>) {add = true}
          %dma_wait3A_68 = arith.constant 0 : i32
          %dma_wait3A_69 = arith.constant 0 : i32
          %dma_wait3A_70 = tpu.memref_slice %arg10[%rem3A_42, %dma_wait3A_68, %dma_wait3A_69] : memref<2x125x128xf32, #tpu.memory_space<vmem>> -> memref<1x125x128xf32, #tpu.memory_space<vmem>>
          %dma_wait3A_71 = tpu.memref_squeeze %dma_wait3A_70 : memref<1x125x128xf32, #tpu.memory_space<vmem>> -> memref<125x128xf32, #tpu.memory_space<vmem>>
          %dma_wait3A_72 = arith.constant 0 : i32
          %dma_wait3A_73 = tpu.memref_slice %arg9[%scan3A_41, %dma_wait3A_72] : memref<40x125xi32, #tpu.memory_space<vmem>> -> memref<1x125xi32, #tpu.memory_space<vmem>>
          %dma_wait3A_74 = tpu.memref_squeeze %dma_wait3A_73 : memref<1x125xi32, #tpu.memory_space<vmem>> -> memref<125xi32, #tpu.memory_space<vmem>>
          %dma_wait3A_75 = arith.constant 0 : i32
          %dma_wait3A_76 = arith.constant 0 : i32
          %dma_wait3A_77 = tpu.memref_slice %arg7[%dma_wait3A_75, %dma_wait3A_76] : memref<10000x128xf32, #tpu.memory_space<vmem_shared>> -> memref<10000x128xf32, #tpu.memory_space<vmem_shared>>
          tpu.wait_indirect_dma semaphore(%run_scoped3A : memref<!tpu.dma_semaphore, #tpu.memory_space<semaphore_mem>>) src(%dma_wait3A_71 : memref<125x128xf32, #tpu.memory_space<vmem>>) dst(%dma_wait3A_77 : memref<10000x128xf32, #tpu.memory_space<vmem_shared>>)
          tpu.yield
        }) : () -> ()
      }
      %scan3A_40 = arith.constant 40 : i32
    }
    %scan3A_11 = arith.constant 2 : i32
    %barrier3A_12 = arith.constant 0 : index
    tpu.barrier barrier_id(%barrier3A_12)
    %mul3A_13 = arith.constant 624 : i32
    %mul3A_14 = arith.muli %arg1, %mul3A_13 : i32
    "tpu.region"() ({
      %run_scoped3A = tpu.sem_alloc : memref<!tpu.dma_semaphore, #tpu.memory_space<semaphore_mem>>
      %dma_start3A = arith.constant 0 : i32
      %dma_start3A_20 = tpu.memref_slice %arg6[%arg0, %mul3A_14, %dma_start3A] : memref<2x10000x128xf32, #tpu.memory_space<hbm>> -> memref<1x624x128xf32, #tpu.memory_space<hbm>>
      %dma_start3A_21 = tpu.memref_squeeze %dma_start3A_20 : memref<1x624x128xf32, #tpu.memory_space<hbm>> -> memref<624x128xf32, #tpu.memory_space<hbm>>
      %dma_start3A_22 = arith.constant 0 : i32
      %dma_start3A_23 = tpu.memref_slice %arg7[%mul3A_14, %dma_start3A_22] : memref<10000x128xf32, #tpu.memory_space<vmem_shared>> -> memref<624x128xf32, #tpu.memory_space<vmem_shared>>
      tpu.enqueue_dma source(%dma_start3A_23 : memref<624x128xf32, #tpu.memory_space<vmem_shared>>) target(%dma_start3A_21 : memref<624x128xf32, #tpu.memory_space<hbm>>) target_semaphore(%run_scoped3A : memref<!tpu.dma_semaphore, #tpu.memory_space<semaphore_mem>>)
      %dma_wait3A = arith.constant 0 : i32
      %dma_wait3A_24 = tpu.memref_slice %arg6[%arg0, %mul3A_14, %dma_wait3A] : memref<2x10000x128xf32, #tpu.memory_space<hbm>> -> memref<1x624x128xf32, #tpu.memory_space<hbm>>
      %dma_wait3A_25 = tpu.memref_squeeze %dma_wait3A_24 : memref<1x624x128xf32, #tpu.memory_space<hbm>> -> memref<624x128xf32, #tpu.memory_space<hbm>>
      %dma_wait3A_26 = arith.constant 0 : i32
      %dma_wait3A_27 = tpu.memref_slice %arg7[%mul3A_14, %dma_wait3A_26] : memref<10000x128xf32, #tpu.memory_space<vmem_shared>> -> memref<624x128xf32, #tpu.memory_space<vmem_shared>>
      tpu.wait_dma2 semaphore(%run_scoped3A : memref<!tpu.dma_semaphore, #tpu.memory_space<semaphore_mem>>) src(%dma_wait3A_27 : memref<624x128xf32, #tpu.memory_space<vmem_shared>>) dst(%dma_wait3A_25 : memref<624x128xf32, #tpu.memory_space<hbm>>)
      tpu.yield
    }) : () -> ()
    %eq3A_15 = arith.constant 15 : i32
    %eq3A_16 = arith.cmpi eq, %arg1, %eq3A_15 : i32
    %convert_element_type3A_17 = arith.extui %eq3A_16 : i1 to i32
    %cond3A_18 = arith.constant 0 : i32
    %cond3A_19 = arith.cmpi ne, %convert_element_type3A_17, %cond3A_18 : i32
    scf.if %cond3A_19 {
      "tpu.region"() ({
        %run_scoped3A = tpu.sem_alloc : memref<!tpu.dma_semaphore, #tpu.memory_space<semaphore_mem>>
        %dma_start3A = arith.constant 9984 : i32
        %dma_start3A_20 = arith.constant 0 : i32
        %dma_start3A_21 = tpu.memref_slice %arg6[%arg0, %dma_start3A, %dma_start3A_20] : memref<2x10000x128xf32, #tpu.memory_space<hbm>> -> memref<1x16x128xf32, #tpu.memory_space<hbm>>
        %dma_start3A_22 = tpu.memref_squeeze %dma_start3A_21 : memref<1x16x128xf32, #tpu.memory_space<hbm>> -> memref<16x128xf32, #tpu.memory_space<hbm>>
        %dma_start3A_23 = arith.constant 9984 : i32
        %dma_start3A_24 = arith.constant 0 : i32
        %dma_start3A_25 = tpu.memref_slice %arg7[%dma_start3A_23, %dma_start3A_24] : memref<10000x128xf32, #tpu.memory_space<vmem_shared>> -> memref<16x128xf32, #tpu.memory_space<vmem_shared>>
        tpu.enqueue_dma source(%dma_start3A_25 : memref<16x128xf32, #tpu.memory_space<vmem_shared>>) target(%dma_start3A_22 : memref<16x128xf32, #tpu.memory_space<hbm>>) target_semaphore(%run_scoped3A : memref<!tpu.dma_semaphore, #tpu.memory_space<semaphore_mem>>)
        %dma_wait3A = arith.constant 9984 : i32
        %dma_wait3A_26 = arith.constant 0 : i32
        %dma_wait3A_27 = tpu.memref_slice %arg6[%arg0, %dma_wait3A, %dma_wait3A_26] : memref<2x10000x128xf32, #tpu.memory_space<hbm>> -> memref<1x16x128xf32, #tpu.memory_space<hbm>>
        %dma_wait3A_28 = tpu.memref_squeeze %dma_wait3A_27 : memref<1x16x128xf32, #tpu.memory_space<hbm>> -> memref<16x128xf32, #tpu.memory_space<hbm>>
        %dma_wait3A_29 = arith.constant 9984 : i32
        %dma_wait3A_30 = arith.constant 0 : i32
        %dma_wait3A_31 = tpu.memref_slice %arg7[%dma_wait3A_29, %dma_wait3A_30] : memref<10000x128xf32, #tpu.memory_space<vmem_shared>> -> memref<16x128xf32, #tpu.memory_space<vmem_shared>>
        tpu.wait_dma2 semaphore(%run_scoped3A : memref<!tpu.dma_semaphore, #tpu.memory_space<semaphore_mem>>) src(%dma_wait3A_31 : memref<16x128xf32, #tpu.memory_space<vmem_shared>>) dst(%dma_wait3A_28 : memref<16x128xf32, #tpu.memory_space<hbm>>)
        tpu.yield
      }) : () -> ()
    } else {
    }
    return
  }
}

#map = affine_map<(d0, d1) -> (0, 0)>
#map1 = affine_map<(d0, d1) -> (0)>
#map2 = affine_map<(d0, d1) -> (0, 0, 0)>
module attributes {stable_mosaic.version = 14 : i64} {
  func.func @body(%arg0: i32, %arg1: i32, %arg2: memref<10000x128xf32, #tpu.memory_space<hbm>>, %arg3: memref<2560x125xi32, #tpu.memory_space<hbm>>, %arg4: memref<2560x125xi32, #tpu.memory_space<hbm>>, %arg5: memref<10000x128xf32, #tpu.memory_space<hbm>>, %arg6: memref<10240xf32, #tpu.memory_space<hbm>>, %arg7: memref<125xf32, #tpu.memory_space<hbm>>, %arg8: memref<2x10000x128xf32, #tpu.memory_space<hbm>>, %arg9: memref<20480xf32, #tpu.memory_space<hbm>>, %arg10: memref<20480xf32, #tpu.memory_space<hbm>>, %arg11: memref<10000x128xf32, #tpu.memory_space<vmem_shared>>, %arg12: memref<10240xf32, #tpu.memory_space<vmem_shared>>, %arg13: memref<10240xf32, #tpu.memory_space<vmem_shared>>, %arg14: memref<40x125xi32, #tpu.memory_space<vmem>>, %arg15: memref<40x125xi32, #tpu.memory_space<vmem>>, %arg16: memref<2x125x128xf32, #tpu.memory_space<vmem>>, %arg17: memref<125xf32, #tpu.memory_space<vmem>>, %arg18: memref<!tpu.dma_semaphore, #tpu.memory_space<semaphore_mem>>) attributes {dimension_semantics = [#tpu.dimension_semantics<core_parallel>, #tpu.dimension_semantics<subcore_parallel>], iteration_bounds = array<i64: 2, 16>, scalar_prefetch = 0 : i64, scratch_operands = 8 : i64, tpu.core_type = #tpu.core_type<sc_vector_subcore>, window_params = [{transform_indices = #map}, {transform_indices = #map}, {transform_indices = #map}, {transform_indices = #map}, {transform_indices = #map1}, {transform_indices = #map1}, {transform_indices = #map2}, {transform_indices = #map1}, {transform_indices = #map1}]} {
    %mul3A = arith.constant 2 : i32
    %mul3A_0 = arith.muli %arg1, %mul3A : i32
    %add3A = arith.addi %mul3A_0, %arg0 : i32
    %mul3A_1 = arith.constant 624 : i32
    %mul3A_2 = arith.muli %arg1, %mul3A_1 : i32
    "tpu.region"() ({
      %run_scoped3A = tpu.sem_alloc : memref<!tpu.dma_semaphore, #tpu.memory_space<semaphore_mem>>
      %dma_start3A = arith.constant 0 : i32
      %dma_start3A_25 = tpu.memref_slice %arg11[%mul3A_2, %dma_start3A] : memref<10000x128xf32, #tpu.memory_space<vmem_shared>> -> memref<624x128xf32, #tpu.memory_space<vmem_shared>>
      %dma_start3A_26 = arith.constant 0 : i32
      %dma_start3A_27 = tpu.memref_slice %arg5[%mul3A_2, %dma_start3A_26] : memref<10000x128xf32, #tpu.memory_space<hbm>> -> memref<624x128xf32, #tpu.memory_space<hbm>>
      tpu.enqueue_dma source(%dma_start3A_27 : memref<624x128xf32, #tpu.memory_space<hbm>>) target(%dma_start3A_25 : memref<624x128xf32, #tpu.memory_space<vmem_shared>>) target_semaphore(%run_scoped3A : memref<!tpu.dma_semaphore, #tpu.memory_space<semaphore_mem>>)
      %dma_wait3A = arith.constant 0 : i32
      %dma_wait3A_28 = tpu.memref_slice %arg11[%mul3A_2, %dma_wait3A] : memref<10000x128xf32, #tpu.memory_space<vmem_shared>> -> memref<624x128xf32, #tpu.memory_space<vmem_shared>>
      %dma_wait3A_29 = arith.constant 0 : i32
      %dma_wait3A_30 = tpu.memref_slice %arg5[%mul3A_2, %dma_wait3A_29] : memref<10000x128xf32, #tpu.memory_space<hbm>> -> memref<624x128xf32, #tpu.memory_space<hbm>>
      tpu.wait_dma2 semaphore(%run_scoped3A : memref<!tpu.dma_semaphore, #tpu.memory_space<semaphore_mem>>) src(%dma_wait3A_30 : memref<624x128xf32, #tpu.memory_space<hbm>>) dst(%dma_wait3A_28 : memref<624x128xf32, #tpu.memory_space<vmem_shared>>)
      tpu.yield
    }) : () -> ()
    %eq3A = arith.constant 15 : i32
    %eq3A_3 = arith.cmpi eq, %arg1, %eq3A : i32
    %convert_element_type3A = arith.extui %eq3A_3 : i1 to i32
    %cond3A = arith.constant 0 : i32
    %cond3A_4 = arith.cmpi ne, %convert_element_type3A, %cond3A : i32
    scf.if %cond3A_4 {
      "tpu.region"() ({
        %run_scoped3A = tpu.sem_alloc : memref<!tpu.dma_semaphore, #tpu.memory_space<semaphore_mem>>
        %dma_start3A = arith.constant 9984 : i32
        %dma_start3A_25 = arith.constant 0 : i32
        %dma_start3A_26 = tpu.memref_slice %arg11[%dma_start3A, %dma_start3A_25] : memref<10000x128xf32, #tpu.memory_space<vmem_shared>> -> memref<16x128xf32, #tpu.memory_space<vmem_shared>>
        %dma_start3A_27 = arith.constant 9984 : i32
        %dma_start3A_28 = arith.constant 0 : i32
        %dma_start3A_29 = tpu.memref_slice %arg5[%dma_start3A_27, %dma_start3A_28] : memref<10000x128xf32, #tpu.memory_space<hbm>> -> memref<16x128xf32, #tpu.memory_space<hbm>>
        tpu.enqueue_dma source(%dma_start3A_29 : memref<16x128xf32, #tpu.memory_space<hbm>>) target(%dma_start3A_26 : memref<16x128xf32, #tpu.memory_space<vmem_shared>>) target_semaphore(%run_scoped3A : memref<!tpu.dma_semaphore, #tpu.memory_space<semaphore_mem>>)
        %dma_wait3A = arith.constant 9984 : i32
        %dma_wait3A_30 = arith.constant 0 : i32
        %dma_wait3A_31 = tpu.memref_slice %arg11[%dma_wait3A, %dma_wait3A_30] : memref<10000x128xf32, #tpu.memory_space<vmem_shared>> -> memref<16x128xf32, #tpu.memory_space<vmem_shared>>
        %dma_wait3A_32 = arith.constant 9984 : i32
        %dma_wait3A_33 = arith.constant 0 : i32
        %dma_wait3A_34 = tpu.memref_slice %arg5[%dma_wait3A_32, %dma_wait3A_33] : memref<10000x128xf32, #tpu.memory_space<hbm>> -> memref<16x128xf32, #tpu.memory_space<hbm>>
        tpu.wait_dma2 semaphore(%run_scoped3A : memref<!tpu.dma_semaphore, #tpu.memory_space<semaphore_mem>>) src(%dma_wait3A_34 : memref<16x128xf32, #tpu.memory_space<hbm>>) dst(%dma_wait3A_31 : memref<16x128xf32, #tpu.memory_space<vmem_shared>>)
        tpu.yield
      }) : () -> ()
    } else {
    }
    %mul3A_5 = arith.constant 640 : i32
    %mul3A_6 = arith.muli %arg1, %mul3A_5 : i32
    "tpu.region"() ({
      %run_scoped3A = tpu.sem_alloc : memref<!tpu.dma_semaphore, #tpu.memory_space<semaphore_mem>>
      %dma_start3A = tpu.memref_slice %arg12[%mul3A_6] : memref<10240xf32, #tpu.memory_space<vmem_shared>> -> memref<640xf32, #tpu.memory_space<vmem_shared>>
      %dma_start3A_25 = tpu.memref_slice %arg6[%mul3A_6] : memref<10240xf32, #tpu.memory_space<hbm>> -> memref<640xf32, #tpu.memory_space<hbm>>
      tpu.enqueue_dma source(%dma_start3A_25 : memref<640xf32, #tpu.memory_space<hbm>>) target(%dma_start3A : memref<640xf32, #tpu.memory_space<vmem_shared>>) target_semaphore(%run_scoped3A : memref<!tpu.dma_semaphore, #tpu.memory_space<semaphore_mem>>)
      %dma_wait3A = tpu.memref_slice %arg12[%mul3A_6] : memref<10240xf32, #tpu.memory_space<vmem_shared>> -> memref<640xf32, #tpu.memory_space<vmem_shared>>
      %dma_wait3A_26 = tpu.memref_slice %arg6[%mul3A_6] : memref<10240xf32, #tpu.memory_space<hbm>> -> memref<640xf32, #tpu.memory_space<hbm>>
      tpu.wait_dma2 semaphore(%run_scoped3A : memref<!tpu.dma_semaphore, #tpu.memory_space<semaphore_mem>>) src(%dma_wait3A_26 : memref<640xf32, #tpu.memory_space<hbm>>) dst(%dma_wait3A : memref<640xf32, #tpu.memory_space<vmem_shared>>)
      tpu.yield
    }) : () -> ()
    "tpu.region"() ({
      %run_scoped3A = tpu.sem_alloc : memref<!tpu.dma_semaphore, #tpu.memory_space<semaphore_mem>>
      %dma_start3A = tpu.memref_slice %arg13[%mul3A_6] : memref<10240xf32, #tpu.memory_space<vmem_shared>> -> memref<640xf32, #tpu.memory_space<vmem_shared>>
      %dma_start3A_25 = tpu.memref_slice %arg6[%mul3A_6] : memref<10240xf32, #tpu.memory_space<hbm>> -> memref<640xf32, #tpu.memory_space<hbm>>
      tpu.enqueue_dma source(%dma_start3A_25 : memref<640xf32, #tpu.memory_space<hbm>>) target(%dma_start3A : memref<640xf32, #tpu.memory_space<vmem_shared>>) target_semaphore(%run_scoped3A : memref<!tpu.dma_semaphore, #tpu.memory_space<semaphore_mem>>)
      %dma_wait3A = tpu.memref_slice %arg13[%mul3A_6] : memref<10240xf32, #tpu.memory_space<vmem_shared>> -> memref<640xf32, #tpu.memory_space<vmem_shared>>
      %dma_wait3A_26 = tpu.memref_slice %arg6[%mul3A_6] : memref<10240xf32, #tpu.memory_space<hbm>> -> memref<640xf32, #tpu.memory_space<hbm>>
      tpu.wait_dma2 semaphore(%run_scoped3A : memref<!tpu.dma_semaphore, #tpu.memory_space<semaphore_mem>>) src(%dma_wait3A_26 : memref<640xf32, #tpu.memory_space<hbm>>) dst(%dma_wait3A : memref<640xf32, #tpu.memory_space<vmem_shared>>)
      tpu.yield
    }) : () -> ()
    "tpu.region"() ({
      %run_scoped3A = tpu.sem_alloc : memref<!tpu.dma_semaphore, #tpu.memory_space<semaphore_mem>>
      tpu.enqueue_dma source(%arg7 : memref<125xf32, #tpu.memory_space<hbm>>) target(%arg17 : memref<125xf32, #tpu.memory_space<vmem>>) target_semaphore(%run_scoped3A : memref<!tpu.dma_semaphore, #tpu.memory_space<semaphore_mem>>)
      tpu.wait_dma2 semaphore(%run_scoped3A : memref<!tpu.dma_semaphore, #tpu.memory_space<semaphore_mem>>) src(%arg7 : memref<125xf32, #tpu.memory_space<hbm>>) dst(%arg17 : memref<125xf32, #tpu.memory_space<vmem>>)
      tpu.yield
    }) : () -> ()
    %mul3A_7 = arith.constant 80 : i32
    %mul3A_8 = arith.muli %add3A, %mul3A_7 : i32
    %barrier3A = arith.constant 0 : index
    tpu.barrier barrier_id(%barrier3A)
    %scan3A = arith.constant 0 : i32
    %scan3A_9 = arith.constant 0 : i32
    %scan3A_10 = arith.constant 2 : i32
    %scan3A_11 = arith.addi %scan3A_9, %scan3A_10 : i32
    %scan3A_12 = arith.constant 1 : i32
    scf.for %scan3A_25 = %scan3A_9 to %scan3A_11 step %scan3A_12  : i32 {
      %mul3A_26 = arith.constant 40 : i32
      %mul3A_27 = arith.muli %scan3A_25, %mul3A_26 : i32
      %add3A_28 = arith.addi %mul3A_8, %mul3A_27 : i32
      "tpu.region"() ({
        %run_scoped3A = tpu.sem_alloc : memref<!tpu.dma_semaphore, #tpu.memory_space<semaphore_mem>>
        %dma_start3A_46 = arith.constant 0 : i32
        %dma_start3A_47 = tpu.memref_slice %arg3[%add3A_28, %dma_start3A_46] : memref<2560x125xi32, #tpu.memory_space<hbm>> -> memref<40x125xi32, #tpu.memory_space<hbm>>
        %dma_start3A_48 = arith.constant 0 : i32
        %dma_start3A_49 = tpu.memref_slice %arg3[%add3A_28, %dma_start3A_48] : memref<2560x125xi32, #tpu.memory_space<hbm>> -> memref<40x125xi32, #tpu.memory_space<hbm>>
        tpu.enqueue_dma source(%dma_start3A_49 : memref<40x125xi32, #tpu.memory_space<hbm>>) target(%arg14 : memref<40x125xi32, #tpu.memory_space<vmem>>) target_semaphore(%run_scoped3A : memref<!tpu.dma_semaphore, #tpu.memory_space<semaphore_mem>>)
        %dma_wait3A = arith.constant 0 : i32
        %dma_wait3A_50 = tpu.memref_slice %arg3[%add3A_28, %dma_wait3A] : memref<2560x125xi32, #tpu.memory_space<hbm>> -> memref<40x125xi32, #tpu.memory_space<hbm>>
        %dma_wait3A_51 = arith.constant 0 : i32
        %dma_wait3A_52 = tpu.memref_slice %arg3[%add3A_28, %dma_wait3A_51] : memref<2560x125xi32, #tpu.memory_space<hbm>> -> memref<40x125xi32, #tpu.memory_space<hbm>>
        tpu.wait_dma2 semaphore(%run_scoped3A : memref<!tpu.dma_semaphore, #tpu.memory_space<semaphore_mem>>) src(%dma_wait3A_52 : memref<40x125xi32, #tpu.memory_space<hbm>>) dst(%arg14 : memref<40x125xi32, #tpu.memory_space<vmem>>)
        tpu.yield
      }) : () -> ()
      "tpu.region"() ({
        %run_scoped3A = tpu.sem_alloc : memref<!tpu.dma_semaphore, #tpu.memory_space<semaphore_mem>>
        %dma_start3A_46 = arith.constant 0 : i32
        %dma_start3A_47 = tpu.memref_slice %arg4[%add3A_28, %dma_start3A_46] : memref<2560x125xi32, #tpu.memory_space<hbm>> -> memref<40x125xi32, #tpu.memory_space<hbm>>
        %dma_start3A_48 = arith.constant 0 : i32
        %dma_start3A_49 = tpu.memref_slice %arg4[%add3A_28, %dma_start3A_48] : memref<2560x125xi32, #tpu.memory_space<hbm>> -> memref<40x125xi32, #tpu.memory_space<hbm>>
        tpu.enqueue_dma source(%dma_start3A_49 : memref<40x125xi32, #tpu.memory_space<hbm>>) target(%arg15 : memref<40x125xi32, #tpu.memory_space<vmem>>) target_semaphore(%run_scoped3A : memref<!tpu.dma_semaphore, #tpu.memory_space<semaphore_mem>>)
        %dma_wait3A = arith.constant 0 : i32
        %dma_wait3A_50 = tpu.memref_slice %arg4[%add3A_28, %dma_wait3A] : memref<2560x125xi32, #tpu.memory_space<hbm>> -> memref<40x125xi32, #tpu.memory_space<hbm>>
        %dma_wait3A_51 = arith.constant 0 : i32
        %dma_wait3A_52 = tpu.memref_slice %arg4[%add3A_28, %dma_wait3A_51] : memref<2560x125xi32, #tpu.memory_space<hbm>> -> memref<40x125xi32, #tpu.memory_space<hbm>>
        tpu.wait_dma2 semaphore(%run_scoped3A : memref<!tpu.dma_semaphore, #tpu.memory_space<semaphore_mem>>) src(%dma_wait3A_52 : memref<40x125xi32, #tpu.memory_space<hbm>>) dst(%arg15 : memref<40x125xi32, #tpu.memory_space<vmem>>)
        tpu.yield
      }) : () -> ()
      %dma_start3A = arith.constant 0 : i32
      %dma_start3A_29 = arith.constant 0 : i32
      %dma_start3A_30 = arith.constant 0 : i32
      %dma_start3A_31 = arith.constant 0 : i32
      %dma_start3A_32 = tpu.memref_slice %arg16[%dma_start3A_29, %dma_start3A_30, %dma_start3A_31] : memref<2x125x128xf32, #tpu.memory_space<vmem>> -> memref<1x125x128xf32, #tpu.memory_space<vmem>>
      %dma_start3A_33 = tpu.memref_squeeze %dma_start3A_32 : memref<1x125x128xf32, #tpu.memory_space<vmem>> -> memref<125x128xf32, #tpu.memory_space<vmem>>
      %dma_start3A_34 = arith.constant 0 : i32
      %dma_start3A_35 = tpu.memref_slice %arg14[%dma_start3A, %dma_start3A_34] : memref<40x125xi32, #tpu.memory_space<vmem>> -> memref<1x125xi32, #tpu.memory_space<vmem>>
      %dma_start3A_36 = tpu.memref_squeeze %dma_start3A_35 : memref<1x125xi32, #tpu.memory_space<vmem>> -> memref<125xi32, #tpu.memory_space<vmem>>
      %dma_start3A_37 = arith.constant 0 : i32
      %dma_start3A_38 = arith.constant 0 : i32
      %dma_start3A_39 = tpu.memref_slice %arg2[%dma_start3A_37, %dma_start3A_38] : memref<10000x128xf32, #tpu.memory_space<hbm>> -> memref<10000x128xf32, #tpu.memory_space<hbm>>
      tpu.enqueue_indirect_dma source(%dma_start3A_39 : memref<10000x128xf32, #tpu.memory_space<hbm>>) target(%dma_start3A_33 : memref<125x128xf32, #tpu.memory_space<vmem>>) offsets(%dma_start3A_36 : memref<125xi32, #tpu.memory_space<vmem>>) semaphore(%arg18 : memref<!tpu.dma_semaphore, #tpu.memory_space<semaphore_mem>>)
      %scan3A_40 = arith.constant 0 : i32
      %scan3A_41 = arith.constant 0 : i32
      %scan3A_42 = arith.constant 40 : i32
      %scan3A_43 = arith.addi %scan3A_41, %scan3A_42 : i32
      %scan3A_44 = arith.constant 1 : i32
      scf.for %scan3A_46 = %scan3A_41 to %scan3A_43 step %scan3A_44  : i32 {
        %rem3A = arith.constant 2 : i32
        %rem3A_47 = arith.remsi %scan3A_46, %rem3A : i32
        %add3A_48 = arith.constant 1 : i32
        %add3A_49 = arith.addi %scan3A_46, %add3A_48 : i32
        %lt3A = arith.constant 40 : i32
        %lt3A_50 = arith.cmpi slt, %add3A_49, %lt3A : i32
        %convert_element_type3A_51 = arith.extui %lt3A_50 : i1 to i32
        %cond3A_52 = arith.constant 0 : i32
        %cond3A_53 = arith.cmpi ne, %convert_element_type3A_51, %cond3A_52 : i32
        scf.if %cond3A_53 {
          %add3A_63 = arith.constant 1 : i32
          %add3A_64 = arith.addi %scan3A_46, %add3A_63 : i32
          %add3A_65 = arith.constant 1 : i32
          %add3A_66 = arith.addi %scan3A_46, %add3A_65 : i32
          %rem3A_67 = arith.constant 2 : i32
          %rem3A_68 = arith.remsi %add3A_66, %rem3A_67 : i32
          %dma_start3A_69 = arith.constant 0 : i32
          %dma_start3A_70 = arith.constant 0 : i32
          %dma_start3A_71 = tpu.memref_slice %arg16[%rem3A_68, %dma_start3A_69, %dma_start3A_70] : memref<2x125x128xf32, #tpu.memory_space<vmem>> -> memref<1x125x128xf32, #tpu.memory_space<vmem>>
          %dma_start3A_72 = tpu.memref_squeeze %dma_start3A_71 : memref<1x125x128xf32, #tpu.memory_space<vmem>> -> memref<125x128xf32, #tpu.memory_space<vmem>>
          %dma_start3A_73 = arith.constant 0 : i32
          %dma_start3A_74 = tpu.memref_slice %arg14[%add3A_64, %dma_start3A_73] : memref<40x125xi32, #tpu.memory_space<vmem>> -> memref<1x125xi32, #tpu.memory_space<vmem>>
          %dma_start3A_75 = tpu.memref_squeeze %dma_start3A_74 : memref<1x125xi32, #tpu.memory_space<vmem>> -> memref<125xi32, #tpu.memory_space<vmem>>
          %dma_start3A_76 = arith.constant 0 : i32
          %dma_start3A_77 = arith.constant 0 : i32
          %dma_start3A_78 = tpu.memref_slice %arg2[%dma_start3A_76, %dma_start3A_77] : memref<10000x128xf32, #tpu.memory_space<hbm>> -> memref<10000x128xf32, #tpu.memory_space<hbm>>
          tpu.enqueue_indirect_dma source(%dma_start3A_78 : memref<10000x128xf32, #tpu.memory_space<hbm>>) target(%dma_start3A_72 : memref<125x128xf32, #tpu.memory_space<vmem>>) offsets(%dma_start3A_75 : memref<125xi32, #tpu.memory_space<vmem>>) semaphore(%arg18 : memref<!tpu.dma_semaphore, #tpu.memory_space<semaphore_mem>>)
        } else {
        }
        %dma_wait3A = arith.constant 0 : i32
        %dma_wait3A_54 = arith.constant 0 : i32
        %dma_wait3A_55 = tpu.memref_slice %arg16[%rem3A_47, %dma_wait3A, %dma_wait3A_54] : memref<2x125x128xf32, #tpu.memory_space<vmem>> -> memref<1x125x128xf32, #tpu.memory_space<vmem>>
        %dma_wait3A_56 = tpu.memref_squeeze %dma_wait3A_55 : memref<1x125x128xf32, #tpu.memory_space<vmem>> -> memref<125x128xf32, #tpu.memory_space<vmem>>
        %dma_wait3A_57 = arith.constant 0 : i32
        %dma_wait3A_58 = tpu.memref_slice %arg14[%scan3A_46, %dma_wait3A_57] : memref<40x125xi32, #tpu.memory_space<vmem>> -> memref<1x125xi32, #tpu.memory_space<vmem>>
        %dma_wait3A_59 = tpu.memref_squeeze %dma_wait3A_58 : memref<1x125xi32, #tpu.memory_space<vmem>> -> memref<125xi32, #tpu.memory_space<vmem>>
        %dma_wait3A_60 = arith.constant 0 : i32
        %dma_wait3A_61 = arith.constant 0 : i32
        %dma_wait3A_62 = tpu.memref_slice %arg2[%dma_wait3A_60, %dma_wait3A_61] : memref<10000x128xf32, #tpu.memory_space<hbm>> -> memref<10000x128xf32, #tpu.memory_space<hbm>>
        tpu.wait_indirect_dma semaphore(%arg18 : memref<!tpu.dma_semaphore, #tpu.memory_space<semaphore_mem>>) src(%dma_wait3A_62 : memref<10000x128xf32, #tpu.memory_space<hbm>>) dst(%dma_wait3A_56 : memref<125x128xf32, #tpu.memory_space<vmem>>)
        "tpu.region"() ({
          %run_scoped3A = tpu.sem_alloc : memref<!tpu.dma_semaphore, #tpu.memory_space<semaphore_mem>>
          %dma_start3A_63 = arith.constant 0 : i32
          %dma_start3A_64 = arith.constant 0 : i32
          %dma_start3A_65 = tpu.memref_slice %arg16[%rem3A_47, %dma_start3A_63, %dma_start3A_64] : memref<2x125x128xf32, #tpu.memory_space<vmem>> -> memref<1x125x128xf32, #tpu.memory_space<vmem>>
          %dma_start3A_66 = tpu.memref_squeeze %dma_start3A_65 : memref<1x125x128xf32, #tpu.memory_space<vmem>> -> memref<125x128xf32, #tpu.memory_space<vmem>>
          %dma_start3A_67 = arith.constant 0 : i32
          %dma_start3A_68 = tpu.memref_slice %arg15[%scan3A_46, %dma_start3A_67] : memref<40x125xi32, #tpu.memory_space<vmem>> -> memref<1x125xi32, #tpu.memory_space<vmem>>
          %dma_start3A_69 = tpu.memref_squeeze %dma_start3A_68 : memref<1x125xi32, #tpu.memory_space<vmem>> -> memref<125xi32, #tpu.memory_space<vmem>>
          %dma_start3A_70 = arith.constant 0 : i32
          %dma_start3A_71 = arith.constant 0 : i32
          %dma_start3A_72 = tpu.memref_slice %arg11[%dma_start3A_70, %dma_start3A_71] : memref<10000x128xf32, #tpu.memory_space<vmem_shared>> -> memref<10000x128xf32, #tpu.memory_space<vmem_shared>>
          tpu.enqueue_indirect_dma source(%dma_start3A_66 : memref<125x128xf32, #tpu.memory_space<vmem>>) target(%dma_start3A_72 : memref<10000x128xf32, #tpu.memory_space<vmem_shared>>) offsets(%dma_start3A_69 : memref<125xi32, #tpu.memory_space<vmem>>) semaphore(%run_scoped3A : memref<!tpu.dma_semaphore, #tpu.memory_space<semaphore_mem>>) {add = true}
          %dma_wait3A_73 = arith.constant 0 : i32
          %dma_wait3A_74 = arith.constant 0 : i32
          %dma_wait3A_75 = tpu.memref_slice %arg16[%rem3A_47, %dma_wait3A_73, %dma_wait3A_74] : memref<2x125x128xf32, #tpu.memory_space<vmem>> -> memref<1x125x128xf32, #tpu.memory_space<vmem>>
          %dma_wait3A_76 = tpu.memref_squeeze %dma_wait3A_75 : memref<1x125x128xf32, #tpu.memory_space<vmem>> -> memref<125x128xf32, #tpu.memory_space<vmem>>
          %dma_wait3A_77 = arith.constant 0 : i32
          %dma_wait3A_78 = tpu.memref_slice %arg15[%scan3A_46, %dma_wait3A_77] : memref<40x125xi32, #tpu.memory_space<vmem>> -> memref<1x125xi32, #tpu.memory_space<vmem>>
          %dma_wait3A_79 = tpu.memref_squeeze %dma_wait3A_78 : memref<1x125xi32, #tpu.memory_space<vmem>> -> memref<125xi32, #tpu.memory_space<vmem>>
          %dma_wait3A_80 = arith.constant 0 : i32
          %dma_wait3A_81 = arith.constant 0 : i32
          %dma_wait3A_82 = tpu.memref_slice %arg11[%dma_wait3A_80, %dma_wait3A_81] : memref<10000x128xf32, #tpu.memory_space<vmem_shared>> -> memref<10000x128xf32, #tpu.memory_space<vmem_shared>>
          tpu.wait_indirect_dma semaphore(%run_scoped3A : memref<!tpu.dma_semaphore, #tpu.memory_space<semaphore_mem>>) src(%dma_wait3A_76 : memref<125x128xf32, #tpu.memory_space<vmem>>) dst(%dma_wait3A_82 : memref<10000x128xf32, #tpu.memory_space<vmem_shared>>)
          tpu.yield
        }) : () -> ()
        "tpu.region"() ({
          %run_scoped3A = tpu.sem_alloc : memref<!tpu.dma_semaphore, #tpu.memory_space<semaphore_mem>>
          %dma_start3A_63 = arith.constant 0 : i32
          %dma_start3A_64 = tpu.memref_slice %arg15[%scan3A_46, %dma_start3A_63] : memref<40x125xi32, #tpu.memory_space<vmem>> -> memref<1x125xi32, #tpu.memory_space<vmem>>
          %dma_start3A_65 = tpu.memref_squeeze %dma_start3A_64 : memref<1x125xi32, #tpu.memory_space<vmem>> -> memref<125xi32, #tpu.memory_space<vmem>>
          %dma_start3A_66 = arith.constant 0 : i32
          %dma_start3A_67 = tpu.memref_slice %arg12[%dma_start3A_66] : memref<10240xf32, #tpu.memory_space<vmem_shared>> -> memref<10240xf32, #tpu.memory_space<vmem_shared>>
          tpu.enqueue_indirect_dma source(%arg17 : memref<125xf32, #tpu.memory_space<vmem>>) target(%dma_start3A_67 : memref<10240xf32, #tpu.memory_space<vmem_shared>>) offsets(%dma_start3A_65 : memref<125xi32, #tpu.memory_space<vmem>>) semaphore(%run_scoped3A : memref<!tpu.dma_semaphore, #tpu.memory_space<semaphore_mem>>) {add = true}
          %dma_wait3A_68 = arith.constant 0 : i32
          %dma_wait3A_69 = tpu.memref_slice %arg15[%scan3A_46, %dma_wait3A_68] : memref<40x125xi32, #tpu.memory_space<vmem>> -> memref<1x125xi32, #tpu.memory_space<vmem>>
          %dma_wait3A_70 = tpu.memref_squeeze %dma_wait3A_69 : memref<1x125xi32, #tpu.memory_space<vmem>> -> memref<125xi32, #tpu.memory_space<vmem>>
          %dma_wait3A_71 = arith.constant 0 : i32
          %dma_wait3A_72 = tpu.memref_slice %arg12[%dma_wait3A_71] : memref<10240xf32, #tpu.memory_space<vmem_shared>> -> memref<10240xf32, #tpu.memory_space<vmem_shared>>
          tpu.wait_indirect_dma semaphore(%run_scoped3A : memref<!tpu.dma_semaphore, #tpu.memory_space<semaphore_mem>>) src(%arg17 : memref<125xf32, #tpu.memory_space<vmem>>) dst(%dma_wait3A_72 : memref<10240xf32, #tpu.memory_space<vmem_shared>>)
          tpu.yield
        }) : () -> ()
        "tpu.region"() ({
          %run_scoped3A = tpu.sem_alloc : memref<!tpu.dma_semaphore, #tpu.memory_space<semaphore_mem>>
          %dma_start3A_63 = arith.constant 0 : i32
          %dma_start3A_64 = tpu.memref_slice %arg14[%scan3A_46, %dma_start3A_63] : memref<40x125xi32, #tpu.memory_space<vmem>> -> memref<1x125xi32, #tpu.memory_space<vmem>>
          %dma_start3A_65 = tpu.memref_squeeze %dma_start3A_64 : memref<1x125xi32, #tpu.memory_space<vmem>> -> memref<125xi32, #tpu.memory_space<vmem>>
          %dma_start3A_66 = arith.constant 0 : i32
          %dma_start3A_67 = tpu.memref_slice %arg13[%dma_start3A_66] : memref<10240xf32, #tpu.memory_space<vmem_shared>> -> memref<10240xf32, #tpu.memory_space<vmem_shared>>
          tpu.enqueue_indirect_dma source(%arg17 : memref<125xf32, #tpu.memory_space<vmem>>) target(%dma_start3A_67 : memref<10240xf32, #tpu.memory_space<vmem_shared>>) offsets(%dma_start3A_65 : memref<125xi32, #tpu.memory_space<vmem>>) semaphore(%run_scoped3A : memref<!tpu.dma_semaphore, #tpu.memory_space<semaphore_mem>>) {add = true}
          %dma_wait3A_68 = arith.constant 0 : i32
          %dma_wait3A_69 = tpu.memref_slice %arg14[%scan3A_46, %dma_wait3A_68] : memref<40x125xi32, #tpu.memory_space<vmem>> -> memref<1x125xi32, #tpu.memory_space<vmem>>
          %dma_wait3A_70 = tpu.memref_squeeze %dma_wait3A_69 : memref<1x125xi32, #tpu.memory_space<vmem>> -> memref<125xi32, #tpu.memory_space<vmem>>
          %dma_wait3A_71 = arith.constant 0 : i32
          %dma_wait3A_72 = tpu.memref_slice %arg13[%dma_wait3A_71] : memref<10240xf32, #tpu.memory_space<vmem_shared>> -> memref<10240xf32, #tpu.memory_space<vmem_shared>>
          tpu.wait_indirect_dma semaphore(%run_scoped3A : memref<!tpu.dma_semaphore, #tpu.memory_space<semaphore_mem>>) src(%arg17 : memref<125xf32, #tpu.memory_space<vmem>>) dst(%dma_wait3A_72 : memref<10240xf32, #tpu.memory_space<vmem_shared>>)
          tpu.yield
        }) : () -> ()
      }
      %scan3A_45 = arith.constant 40 : i32
    }
    %scan3A_13 = arith.constant 2 : i32
    %barrier3A_14 = arith.constant 0 : index
    tpu.barrier barrier_id(%barrier3A_14)
    %mul3A_15 = arith.constant 624 : i32
    %mul3A_16 = arith.muli %arg1, %mul3A_15 : i32
    "tpu.region"() ({
      %run_scoped3A = tpu.sem_alloc : memref<!tpu.dma_semaphore, #tpu.memory_space<semaphore_mem>>
      %dma_start3A = arith.constant 0 : i32
      %dma_start3A_25 = tpu.memref_slice %arg8[%arg0, %mul3A_16, %dma_start3A] : memref<2x10000x128xf32, #tpu.memory_space<hbm>> -> memref<1x624x128xf32, #tpu.memory_space<hbm>>
      %dma_start3A_26 = tpu.memref_squeeze %dma_start3A_25 : memref<1x624x128xf32, #tpu.memory_space<hbm>> -> memref<624x128xf32, #tpu.memory_space<hbm>>
      %dma_start3A_27 = arith.constant 0 : i32
      %dma_start3A_28 = tpu.memref_slice %arg11[%mul3A_16, %dma_start3A_27] : memref<10000x128xf32, #tpu.memory_space<vmem_shared>> -> memref<624x128xf32, #tpu.memory_space<vmem_shared>>
      tpu.enqueue_dma source(%dma_start3A_28 : memref<624x128xf32, #tpu.memory_space<vmem_shared>>) target(%dma_start3A_26 : memref<624x128xf32, #tpu.memory_space<hbm>>) target_semaphore(%run_scoped3A : memref<!tpu.dma_semaphore, #tpu.memory_space<semaphore_mem>>)
      %dma_wait3A = arith.constant 0 : i32
      %dma_wait3A_29 = tpu.memref_slice %arg8[%arg0, %mul3A_16, %dma_wait3A] : memref<2x10000x128xf32, #tpu.memory_space<hbm>> -> memref<1x624x128xf32, #tpu.memory_space<hbm>>
      %dma_wait3A_30 = tpu.memref_squeeze %dma_wait3A_29 : memref<1x624x128xf32, #tpu.memory_space<hbm>> -> memref<624x128xf32, #tpu.memory_space<hbm>>
      %dma_wait3A_31 = arith.constant 0 : i32
      %dma_wait3A_32 = tpu.memref_slice %arg11[%mul3A_16, %dma_wait3A_31] : memref<10000x128xf32, #tpu.memory_space<vmem_shared>> -> memref<624x128xf32, #tpu.memory_space<vmem_shared>>
      tpu.wait_dma2 semaphore(%run_scoped3A : memref<!tpu.dma_semaphore, #tpu.memory_space<semaphore_mem>>) src(%dma_wait3A_32 : memref<624x128xf32, #tpu.memory_space<vmem_shared>>) dst(%dma_wait3A_30 : memref<624x128xf32, #tpu.memory_space<hbm>>)
      tpu.yield
    }) : () -> ()
    %eq3A_17 = arith.constant 15 : i32
    %eq3A_18 = arith.cmpi eq, %arg1, %eq3A_17 : i32
    %convert_element_type3A_19 = arith.extui %eq3A_18 : i1 to i32
    %cond3A_20 = arith.constant 0 : i32
    %cond3A_21 = arith.cmpi ne, %convert_element_type3A_19, %cond3A_20 : i32
    scf.if %cond3A_21 {
      "tpu.region"() ({
        %run_scoped3A = tpu.sem_alloc : memref<!tpu.dma_semaphore, #tpu.memory_space<semaphore_mem>>
        %dma_start3A = arith.constant 9984 : i32
        %dma_start3A_25 = arith.constant 0 : i32
        %dma_start3A_26 = tpu.memref_slice %arg8[%arg0, %dma_start3A, %dma_start3A_25] : memref<2x10000x128xf32, #tpu.memory_space<hbm>> -> memref<1x16x128xf32, #tpu.memory_space<hbm>>
        %dma_start3A_27 = tpu.memref_squeeze %dma_start3A_26 : memref<1x16x128xf32, #tpu.memory_space<hbm>> -> memref<16x128xf32, #tpu.memory_space<hbm>>
        %dma_start3A_28 = arith.constant 9984 : i32
        %dma_start3A_29 = arith.constant 0 : i32
        %dma_start3A_30 = tpu.memref_slice %arg11[%dma_start3A_28, %dma_start3A_29] : memref<10000x128xf32, #tpu.memory_space<vmem_shared>> -> memref<16x128xf32, #tpu.memory_space<vmem_shared>>
        tpu.enqueue_dma source(%dma_start3A_30 : memref<16x128xf32, #tpu.memory_space<vmem_shared>>) target(%dma_start3A_27 : memref<16x128xf32, #tpu.memory_space<hbm>>) target_semaphore(%run_scoped3A : memref<!tpu.dma_semaphore, #tpu.memory_space<semaphore_mem>>)
        %dma_wait3A = arith.constant 9984 : i32
        %dma_wait3A_31 = arith.constant 0 : i32
        %dma_wait3A_32 = tpu.memref_slice %arg8[%arg0, %dma_wait3A, %dma_wait3A_31] : memref<2x10000x128xf32, #tpu.memory_space<hbm>> -> memref<1x16x128xf32, #tpu.memory_space<hbm>>
        %dma_wait3A_33 = tpu.memref_squeeze %dma_wait3A_32 : memref<1x16x128xf32, #tpu.memory_space<hbm>> -> memref<16x128xf32, #tpu.memory_space<hbm>>
        %dma_wait3A_34 = arith.constant 9984 : i32
        %dma_wait3A_35 = arith.constant 0 : i32
        %dma_wait3A_36 = tpu.memref_slice %arg11[%dma_wait3A_34, %dma_wait3A_35] : memref<10000x128xf32, #tpu.memory_space<vmem_shared>> -> memref<16x128xf32, #tpu.memory_space<vmem_shared>>
        tpu.wait_dma2 semaphore(%run_scoped3A : memref<!tpu.dma_semaphore, #tpu.memory_space<semaphore_mem>>) src(%dma_wait3A_36 : memref<16x128xf32, #tpu.memory_space<vmem_shared>>) dst(%dma_wait3A_33 : memref<16x128xf32, #tpu.memory_space<hbm>>)
        tpu.yield
      }) : () -> ()
    } else {
    }
    %mul3A_22 = arith.constant 10240 : i32
    %mul3A_23 = arith.muli %arg0, %mul3A_22 : i32
    %add3A_24 = arith.addi %mul3A_23, %mul3A_6 : i32
    "tpu.region"() ({
      %run_scoped3A = tpu.sem_alloc : memref<!tpu.dma_semaphore, #tpu.memory_space<semaphore_mem>>
      %dma_start3A = tpu.memref_slice %arg9[%add3A_24] : memref<20480xf32, #tpu.memory_space<hbm>> -> memref<640xf32, #tpu.memory_space<hbm>>
      %dma_start3A_25 = tpu.memref_slice %arg12[%mul3A_6] : memref<10240xf32, #tpu.memory_space<vmem_shared>> -> memref<640xf32, #tpu.memory_space<vmem_shared>>
      tpu.enqueue_dma source(%dma_start3A_25 : memref<640xf32, #tpu.memory_space<vmem_shared>>) target(%dma_start3A : memref<640xf32, #tpu.memory_space<hbm>>) target_semaphore(%run_scoped3A : memref<!tpu.dma_semaphore, #tpu.memory_space<semaphore_mem>>)
      %dma_wait3A = tpu.memref_slice %arg9[%add3A_24] : memref<20480xf32, #tpu.memory_space<hbm>> -> memref<640xf32, #tpu.memory_space<hbm>>
      %dma_wait3A_26 = tpu.memref_slice %arg12[%mul3A_6] : memref<10240xf32, #tpu.memory_space<vmem_shared>> -> memref<640xf32, #tpu.memory_space<vmem_shared>>
      tpu.wait_dma2 semaphore(%run_scoped3A : memref<!tpu.dma_semaphore, #tpu.memory_space<semaphore_mem>>) src(%dma_wait3A_26 : memref<640xf32, #tpu.memory_space<vmem_shared>>) dst(%dma_wait3A : memref<640xf32, #tpu.memory_space<hbm>>)
      tpu.yield
    }) : () -> ()
    "tpu.region"() ({
      %run_scoped3A = tpu.sem_alloc : memref<!tpu.dma_semaphore, #tpu.memory_space<semaphore_mem>>
      %dma_start3A = tpu.memref_slice %arg10[%add3A_24] : memref<20480xf32, #tpu.memory_space<hbm>> -> memref<640xf32, #tpu.memory_space<hbm>>
      %dma_start3A_25 = tpu.memref_slice %arg13[%mul3A_6] : memref<10240xf32, #tpu.memory_space<vmem_shared>> -> memref<640xf32, #tpu.memory_space<vmem_shared>>
      tpu.enqueue_dma source(%dma_start3A_25 : memref<640xf32, #tpu.memory_space<vmem_shared>>) target(%dma_start3A : memref<640xf32, #tpu.memory_space<hbm>>) target_semaphore(%run_scoped3A : memref<!tpu.dma_semaphore, #tpu.memory_space<semaphore_mem>>)
      %dma_wait3A = tpu.memref_slice %arg10[%add3A_24] : memref<20480xf32, #tpu.memory_space<hbm>> -> memref<640xf32, #tpu.memory_space<hbm>>
      %dma_wait3A_26 = tpu.memref_slice %arg13[%mul3A_6] : memref<10240xf32, #tpu.memory_space<vmem_shared>> -> memref<640xf32, #tpu.memory_space<vmem_shared>>
      tpu.wait_dma2 semaphore(%run_scoped3A : memref<!tpu.dma_semaphore, #tpu.memory_space<semaphore_mem>>) src(%dma_wait3A_26 : memref<640xf32, #tpu.memory_space<vmem_shared>>) dst(%dma_wait3A : memref<640xf32, #tpu.memory_space<hbm>>)
      tpu.yield
    }) : () -> ()
    return
  }
}

module attributes {stable_mosaic.version = 14 : i64} {
  func.func @body(%arg0: i32, %arg1: memref<1x1000x128xf32, #tpu.memory_space<vmem>>, %arg2: memref<1x1000x128xf32, #tpu.memory_space<vmem>>, %arg3: memref<1000x1xf32, #tpu.memory_space<vmem>>, %arg4: memref<1000x1xf32, #tpu.memory_space<vmem>>, %arg5: memref<1000x128xf32, #tpu.memory_space<vmem>>) attributes {dimension_semantics = [#tpu.dimension_semantics<arbitrary>], iteration_bounds = array<i64: 10>, scalar_prefetch = 0 : i64, scratch_operands = 0 : i64, tpu.core_type = #tpu.core_type<tc>, window_params = [{transform_indices = @transform_0, window_bounds = array<i64: 1, 1000, 128>}, {transform_indices = @transform_1, window_bounds = array<i64: 1, 1000, 128>}, {transform_indices = @transform_2, window_bounds = array<i64: 1000, 1>}, {transform_indices = @transform_3, window_bounds = array<i64: 1000, 1>}, {transform_indices = @transform_4, window_bounds = array<i64: 1000, 128>}]} {
    %get3A = arith.constant 0 : index
    %get3A_0 = arith.constant 0 : index
    %get3A_1 = vector.load %arg3[%get3A, %get3A_0] : memref<1000x1xf32, #tpu.memory_space<vmem>>, vector<1000x1xf32>
    %get3A_2 = arith.constant 0 : index
    %get3A_3 = arith.constant 0 : index
    %get3A_4 = vector.load %arg4[%get3A_2, %get3A_3] : memref<1000x1xf32, #tpu.memory_space<vmem>>, vector<1000x1xf32>
    %add3A = arith.addf %get3A_1, %get3A_4 : vector<1000x1xf32>
    %get3A_5 = arith.constant 0 : index
    %get3A_6 = arith.constant 0 : index
    %get3A_7 = arith.constant 0 : index
    %get3A_8 = vector.load %arg1[%get3A_5, %get3A_6, %get3A_7] : memref<1x1000x128xf32, #tpu.memory_space<vmem>>, vector<1x1000x128xf32>
    %get3A_9 = vector.shape_cast %get3A_8 : vector<1x1000x128xf32> to vector<1000x128xf32>
    %get3A_10 = arith.constant 0 : index
    %get3A_11 = arith.constant 0 : index
    %get3A_12 = arith.constant 0 : index
    %get3A_13 = vector.load %arg2[%get3A_10, %get3A_11, %get3A_12] : memref<1x1000x128xf32, #tpu.memory_space<vmem>>, vector<1x1000x128xf32>
    %get3A_14 = vector.shape_cast %get3A_13 : vector<1x1000x128xf32> to vector<1000x128xf32>
    %add3A_15 = arith.addf %get3A_9, %get3A_14 : vector<1000x128xf32>
    %max3A = arith.constant 1.000000e+00 : f32
    %max3A_16 = vector.broadcast %max3A : f32 to vector<1000x1xf32>
    %max3A_17 = arith.maximumf %add3A, %max3A_16 : vector<1000x1xf32>
    %div3A = arith.constant 1.000000e+00 : f32
    %div3A_18 = vector.broadcast %div3A : f32 to vector<1000x1xf32>
    %div3A_19 = arith.divf %div3A_18, %max3A_17 : vector<1000x1xf32>
    %mul3A = vector.broadcast %div3A_19 : vector<1000x1xf32> to vector<1000x128xf32>
    %mul3A_20 = arith.mulf %add3A_15, %mul3A : vector<1000x128xf32>
    %swap3A = arith.constant 0 : index
    %swap3A_21 = arith.constant 0 : index
    %swap3A_22 = vector.load %arg5[%swap3A, %swap3A_21] : memref<1000x128xf32, #tpu.memory_space<vmem>>, vector<1000x128xf32>
    tpu.vector_store %arg5[%swap3A, %swap3A_21], %mul3A_20 {strides = array<i32>} : memref<1000x128xf32, #tpu.memory_space<vmem>>, vector<1000x128xf32>,
    return
  }
  func.func @transform_0(%arg0: i32) -> (i32, i32, i32) {
    %c0_i32 = arith.constant 0 : i32
    %c0_i32_0 = arith.constant 0 : i32
    %c0_i32_1 = arith.constant 0 : i32
    return %c0_i32, %arg0, %c0_i32_0 : i32, i32, i32
  }
  func.func @transform_1(%arg0: i32) -> (i32, i32, i32) {
    %c1_i32 = arith.constant 1 : i32
    %c0_i32 = arith.constant 0 : i32
    %c0_i32_0 = arith.constant 0 : i32
    return %c1_i32, %arg0, %c0_i32 : i32, i32, i32
  }
  func.func @transform_2(%arg0: i32) -> (i32, i32) {
    %c0_i32 = arith.constant 0 : i32
    %c0_i32_0 = arith.constant 0 : i32
    return %arg0, %c0_i32 : i32, i32
  }
  func.func @transform_3(%arg0: i32) -> (i32, i32) {
    %c0_i32 = arith.constant 0 : i32
    %c0_i32_0 = arith.constant 0 : i32
    return %arg0, %c0_i32 : i32, i32
  }
  func.func @transform_4(%arg0: i32) -> (i32, i32) {
    %c0_i32 = arith.constant 0 : i32
    %c0_i32_0 = arith.constant 0 : i32
    return %arg0, %c0_i32 : i32, i32
  }
}

module attributes {stable_mosaic.version = 14 : i64} {
  func.func @body(%arg0: i32, %arg1: memref<1000x128xf32, #tpu.memory_space<vmem>>, %arg2: memref<1x1000x128xf32, #tpu.memory_space<vmem>>, %arg3: memref<1x1000x128xf32, #tpu.memory_space<vmem>>, %arg4: memref<1000x1xf32, #tpu.memory_space<vmem>>, %arg5: memref<1000x1xf32, #tpu.memory_space<vmem>>, %arg6: memref<256x128xf32, #tpu.memory_space<vmem>>, %arg7: memref<1x128xf32, #tpu.memory_space<vmem>>, %arg8: memref<1000x128xf32, #tpu.memory_space<vmem>>) attributes {dimension_semantics = [#tpu.dimension_semantics<arbitrary>], iteration_bounds = array<i64: 10>, scalar_prefetch = 0 : i64, scratch_operands = 0 : i64, tpu.core_type = #tpu.core_type<tc>, window_params = [{transform_indices = @transform_0, window_bounds = array<i64: 1000, 128>}, {transform_indices = @transform_1, window_bounds = array<i64: 1, 1000, 128>}, {transform_indices = @transform_2, window_bounds = array<i64: 1, 1000, 128>}, {transform_indices = @transform_3, window_bounds = array<i64: 1000, 1>}, {transform_indices = @transform_4, window_bounds = array<i64: 1000, 1>}, {pipeline_mode = #tpu.pipeline_mode<synchronous>, transform_indices = @transform_5, window_bounds = array<i64: 256, 128>}, {pipeline_mode = #tpu.pipeline_mode<synchronous>, transform_indices = @transform_6, window_bounds = array<i64: 1, 128>}, {transform_indices = @transform_7, window_bounds = array<i64: 1000, 128>}]} {
    %get3A = arith.constant 0 : index
    %get3A_0 = arith.constant 0 : index
    %get3A_1 = vector.load %arg4[%get3A, %get3A_0] : memref<1000x1xf32, #tpu.memory_space<vmem>>, vector<1000x1xf32>
    %get3A_2 = arith.constant 0 : index
    %get3A_3 = arith.constant 0 : index
    %get3A_4 = vector.load %arg5[%get3A_2, %get3A_3] : memref<1000x1xf32, #tpu.memory_space<vmem>>, vector<1000x1xf32>
    %add3A = arith.addf %get3A_1, %get3A_4 : vector<1000x1xf32>
    %get3A_5 = arith.constant 0 : index
    %get3A_6 = arith.constant 0 : index
    %get3A_7 = arith.constant 0 : index
    %get3A_8 = vector.load %arg2[%get3A_5, %get3A_6, %get3A_7] : memref<1x1000x128xf32, #tpu.memory_space<vmem>>, vector<1x1000x128xf32>
    %get3A_9 = vector.shape_cast %get3A_8 : vector<1x1000x128xf32> to vector<1000x128xf32>
    %get3A_10 = arith.constant 0 : index
    %get3A_11 = arith.constant 0 : index
    %get3A_12 = arith.constant 0 : index
    %get3A_13 = vector.load %arg3[%get3A_10, %get3A_11, %get3A_12] : memref<1x1000x128xf32, #tpu.memory_space<vmem>>, vector<1x1000x128xf32>
    %get3A_14 = vector.shape_cast %get3A_13 : vector<1x1000x128xf32> to vector<1000x128xf32>
    %add3A_15 = arith.addf %get3A_9, %get3A_14 : vector<1000x128xf32>
    %max3A = arith.constant 1.000000e+00 : f32
    %max3A_16 = vector.broadcast %max3A : f32 to vector<1000x1xf32>
    %max3A_17 = arith.maximumf %add3A, %max3A_16 : vector<1000x1xf32>
    %div3A = arith.constant 1.000000e+00 : f32
    %div3A_18 = vector.broadcast %div3A : f32 to vector<1000x1xf32>
    %div3A_19 = arith.divf %div3A_18, %max3A_17 : vector<1000x1xf32>
    %mul3A = vector.broadcast %div3A_19 : vector<1000x1xf32> to vector<1000x128xf32>
    %mul3A_20 = arith.mulf %add3A_15, %mul3A : vector<1000x128xf32>
    %get3A_21 = arith.constant 0 : index
    %get3A_22 = arith.constant 0 : index
    %get3A_23 = vector.load %arg6[%get3A_21, %get3A_22] : memref<256x128xf32, #tpu.memory_space<vmem>>, vector<256x128xf32>
    %get3A_24 = arith.constant 0 : index
    %get3A_25 = arith.constant 0 : index
    %get3A_26 = vector.load %arg1[%get3A_24, %get3A_25] : memref<1000x128xf32, #tpu.memory_space<vmem>>, vector<1000x128xf32>
    %slice3A = vector.extract_strided_slice %get3A_23 {offsets = [0, 0], sizes = [128, 128], strides = [1, 1]} : vector<256x128xf32> to vector<128x128xf32>
    %dot_general3A = arith.constant dense<0.000000e+00> : vector<1000x128xf32>
    %dot_general3A_27 = tpu.matmul %get3A_26, %slice3A, %dot_general3A {dimension_numbers = #tpu.dot_dimension_numbers<[1], [0], [0], [1], [0, 0, 1, 1], [], []>, precision = #tpu.contract_precision<fp32>, transpose_lhs_hint = false} : vector<1000x128xf32>, vector<128x128xf32>, vector<1000x128xf32> -> vector<1000x128xf32>
    %slice3A_28 = vector.extract_strided_slice %get3A_23 {offsets = [128, 0], sizes = [128, 128], strides = [1, 1]} : vector<256x128xf32> to vector<128x128xf32>
    %dot_general3A_29 = arith.constant dense<0.000000e+00> : vector<1000x128xf32>
    %dot_general3A_30 = tpu.matmul %mul3A_20, %slice3A_28, %dot_general3A_29 {dimension_numbers = #tpu.dot_dimension_numbers<[1], [0], [0], [1], [0, 0, 1, 1], [], []>, precision = #tpu.contract_precision<fp32>, transpose_lhs_hint = false} : vector<1000x128xf32>, vector<128x128xf32>, vector<1000x128xf32> -> vector<1000x128xf32>
    %add3A_31 = arith.addf %dot_general3A_27, %dot_general3A_30 : vector<1000x128xf32>
    %get3A_32 = arith.constant 0 : index
    %get3A_33 = arith.constant 0 : index
    %get3A_34 = vector.load %arg7[%get3A_32, %get3A_33] : memref<1x128xf32, #tpu.memory_space<vmem>>, vector<1x128xf32>
    %add3A_35 = vector.broadcast %get3A_34 : vector<1x128xf32> to vector<1000x128xf32>
    %add3A_36 = arith.addf %add3A_31, %add3A_35 : vector<1000x128xf32>
    %mul3A_37 = arith.mulf %add3A_36, %add3A_36 : vector<1000x128xf32>
    %reduce_sum3A = arith.constant dense<0.000000e+00> : vector<1000xf32>
    %reduce_sum3A_38 = vector.multi_reduction <add>, %mul3A_37, %reduce_sum3A [1] : vector<1000x128xf32> to vector<1000xf32>
    %broadcast_in_dim3A = vector.shape_cast %reduce_sum3A_38 : vector<1000xf32> to vector<1000x1xf32>
    %sqrt3A = math.sqrt %broadcast_in_dim3A : vector<1000x1xf32>
    %div3A_39 = vector.broadcast %sqrt3A : vector<1000x1xf32> to vector<1000x128xf32>
    %div3A_40 = arith.divf %add3A_36, %div3A_39 : vector<1000x128xf32>
    %swap3A = arith.constant 0 : index
    %swap3A_41 = arith.constant 0 : index
    %swap3A_42 = vector.load %arg8[%swap3A, %swap3A_41] : memref<1000x128xf32, #tpu.memory_space<vmem>>, vector<1000x128xf32>
    tpu.vector_store %arg8[%swap3A, %swap3A_41], %div3A_40 {strides = array<i32>} : memref<1000x128xf32, #tpu.memory_space<vmem>>, vector<1000x128xf32>,
    return
  }
  func.func @transform_0(%arg0: i32) -> (i32, i32) {
    %c0_i32 = arith.constant 0 : i32
    %c0_i32_0 = arith.constant 0 : i32
    return %arg0, %c0_i32 : i32, i32
  }
  func.func @transform_1(%arg0: i32) -> (i32, i32, i32) {
    %c0_i32 = arith.constant 0 : i32
    %c0_i32_0 = arith.constant 0 : i32
    %c0_i32_1 = arith.constant 0 : i32
    return %c0_i32, %arg0, %c0_i32_0 : i32, i32, i32
  }
  func.func @transform_2(%arg0: i32) -> (i32, i32, i32) {
    %c1_i32 = arith.constant 1 : i32
    %c0_i32 = arith.constant 0 : i32
    %c0_i32_0 = arith.constant 0 : i32
    return %c1_i32, %arg0, %c0_i32 : i32, i32, i32
  }
  func.func @transform_3(%arg0: i32) -> (i32, i32) {
    %c0_i32 = arith.constant 0 : i32
    %c0_i32_0 = arith.constant 0 : i32
    return %arg0, %c0_i32 : i32, i32
  }
  func.func @transform_4(%arg0: i32) -> (i32, i32) {
    %c0_i32 = arith.constant 0 : i32
    %c0_i32_0 = arith.constant 0 : i32
    return %arg0, %c0_i32 : i32, i32
  }
  func.func @transform_5(%arg0: i32) -> (i32, i32) {
    %c0_i32 = arith.constant 0 : i32
    %c0_i32_0 = arith.constant 0 : i32
    %c0_i32_1 = arith.constant 0 : i32
    return %c0_i32, %c0_i32_0 : i32, i32
  }
  func.func @transform_6(%arg0: i32) -> (i32, i32) {
    %c0_i32 = arith.constant 0 : i32
    %c0_i32_0 = arith.constant 0 : i32
    %c0_i32_1 = arith.constant 0 : i32
    return %c0_i32, %c0_i32_0 : i32, i32
  }
  func.func @transform_7(%arg0: i32) -> (i32, i32) {
    %c0_i32 = arith.constant 0 : i32
    %c0_i32_0 = arith.constant 0 : i32
    return %arg0, %c0_i32 : i32, i32
  }
}

</mosaic_0001>

<sc_bundles>
// kernel: kernel.6.cloned.1.call-start
scs
__scs_entry_jumppad:
0x0: {  	(pc) =	sbr.rel $0x88, $3  }
0x1: {  	(tag) =	ssettag $0x0;
	lr =	simm.s32 $0x1  }
0x2: {  	[smem:$0x3F9D] =	sst lr;
	_ =	strace $0xD0000000  }
0x3: {  	_ = 	snop  }
0x4: {  	_ = 	snop  }
0x5: {  	_ = 	snop  }
0x6: {  	_ = 	snop  }
0x7: {  	_ = 	snop  }
__scs_overlays_trampoline_lowered:
0x8: {  	[smem:$0x3FAC] =	sst s0  }
0x9: {  	[smem:$0x3FAD] =	sst s1  }
0xa: {  	[smem:$0x3FAE] =	sst s2  }
0xb: {  	[smem:$0x3FAF] =	sst s3  }
0xc: {  	[smem:$0x3FB0] =	sst s4  }
0xd: {  	[smem:$0x3FB1] =	sst s5  }
0xe: {  	[smem:$0x3FB2] =	sst s6  }
0xf: {  	[smem:$0x3FB3] =	sst s7  }
0x10: {  	[smem:$0x3FB4] =	sst s8  }
0x11: {  	[smem:$0x3FB5] =	sst s9;
	s0 =	simm.s32 @!p0 $0x0  }
0x12: {  	s1 =	sld [smem:$0x3F9B];
	s0 =	simm.s32 @p0 $0x1  }
0x13: {  	[smem:$0x3FB6] =	sst s0;
	s0 =	simm.s32 @!p1 $0x0  }
0x14: {  	s2 =	sld [smem:$0x3F9A];
	s0 =	simm.s32 @p1 $0x1  }
0x15: {  	[smem:$0x3FB7] =	sst s0;
	s0 =	simm.s32 @!p2 $0x0  }
0x16: {  	s3 =	sld [smem:$0x3FDB];
	s0 =	simm.s32 @p2 $0x1  }
0x17: {  	s4 =	simm.s32 $0x1BF5;
	[smem:$0x3FB9] =	sst s0  }
0x18: {  	s0 =	sld [smem:$0x3F9C];
	_ =	swait.ge [sflag:s4], $0x0  }
0x19: {  	s7 =	sld [smem:$0x3F9D]  }
0x1a: {  	s8 =	sadd.s32 $0xFFFFE003, lr  }
0x1b: {  	s9 =	sadd.s32 $0xFFFFFEF7, lr;
	s5 =	simm.s32 $0xFFFFFFFF;
	p2 =	slt.u32 s8, $0xFFFFF086  }
0x1c: {  	p1 =	slt.u32 s9, $0xF7A;
	s5 =	simm.s32 @!p2 $0x0  }
0x1d: {  	s5 =	simm.s32 @p1 $0x1;
	p0 =	seq.s32 s7, s2  }
0x1e: {  	s7 =	smul.u32 @!p0 $0xF7A, s2;
	p2 =	seq.s32 @!p0 s5, $0x0  }
0x1f: {  	s9 =	smul.u32 $0xF7A, s1;
	s8 =	simm.s32 @!p0 $0x1BF5;
	p2 =	por !p2, p0  }
0x20: {  	[sflag:s8] =	ssyncset.s32 @!p0 $0xFFFFF086;
	s6 =	sadd.s32 @!p0 s3, s7;
	s7 =	simm.s32 @!p0 $0x108  }
0x21: {  	s3 =	sadd.s32 s3, s9;
	s6 =	sadd.s32 @!p0 $0x88, s6;
	s7 =	simm.s32 @p2 $0x1082  }
0x22: {  	[simem:s7], [sflag:s8] =	dma.local @!p0 [hbm:s6], $0xF7A  }
0x23: {  	s9 =	sor.u32 $0xD0000000, s2;
	s6 =	simm.s32 $0x108;
	_ =	swait.ge @!p0 [sflag:s8], $0x0  }
0x24: {  	s3 =	sadd.s32 $0x88, s3;
	s6 =	simm.s32 @!p1 $0x1082;
	[sflag:s4] =	ssyncset.s32 $0xFFFFF086  }
0x25: {  	[simem:s6], [sflag:s4] =	dma.local [hbm:s3], $0xF7A  }
0x26: {  	[smem:$0x3F9D] =	sst s1;
	(tag) =	ssettag s2;
	_ =	strace s9  }
0x27: {  	s1 =	sld [smem:$0x3FAD]  }
0x28: {  	s2 =	sld [smem:$0x3FAE]  }
0x29: {  	s4 =	sld [smem:$0x3FB0]  }
0x2a: {  	p0 =	seq.s32 s5, $0x0;
	s5 =	sld [smem:$0x3FB1]  }
0x2b: {  	s6 =	sld [smem:$0x3FB2]  }
0x2c: {  	s7 =	sld [smem:$0x3FB3]  }
0x2d: {  	s3 =	simm.s32 $0x108;
	s8 =	sld [smem:$0x3FB4]  }
0x2e: {  	s3 =	simm.s32 @!p0 $0x1082;
	s9 =	sld [smem:$0x3FB5]  }
0x2f: {  	lr =	sadd.s32 s0, s3;
	s0 =	sld [smem:$0x3FAC]  }
0x30: {  	s3 =	sld [smem:$0x3FAF]  }
0x31: {  	[smem:$0x3FB8] =	sst s10  }
0x32: {  	s10 =	sld [smem:$0x3FB6];
	_ =	sdelay $0x3  }
0x33: {  	p0 =	seq.s32 s10, $0x1;
	s10 =	sld [smem:$0x3FB8];
	_ =	sdelay $0x3  }
0x34: {  	[smem:$0x3FB8] =	sst s10  }
0x35: {  	s10 =	sld [smem:$0x3FB7];
	_ =	sdelay $0x3  }
0x36: {  	p1 =	seq.s32 s10, $0x1;
	s10 =	sld [smem:$0x3FB8];
	_ =	sdelay $0x3  }
0x37: {  	[smem:$0x3FB8] =	sst s10  }
0x38: {  	s10 =	sld [smem:$0x3FB9]  }
0x39: {  	_ = 	snop;
	(pc) =	sbr.ind lr, $3  }
0x3a: {  	_ = 	snop  }
0x3b: {  	_ = 	snop  }
0x3c: {  	p2 =	seq.s32 s10, $0x1;
	s10 =	sld [smem:$0x3FB8]  }
0x3d: {  	_ =	shalt  }
0x3e: {  	_ =	shalt  }
0x3f: {  	_ =	shalt  }
0x40: {  	_ =	shalt  }
0x41: {  	_ =	shalt  }
0x42: {  	_ =	shalt  }
0x43: {  	_ =	shalt  }
0x44: {  	_ =	shalt  }
0x45: {  	_ =	shalt  }
0x46: {  	_ =	shalt  }
0x47: {  	_ =	shalt  }
0x48: {  	_ =	shalt  }
0x49: {  	_ =	shalt  }
0x4a: {  	_ =	shalt  }
0x4b: {  	_ =	shalt  }
0x4c: {  	_ =	shalt  }
0x4d: {  	_ =	shalt  }
0x4e: {  	_ =	shalt  }
0x4f: {  	_ =	shalt  }
0x50: {  	_ =	shalt  }
0x51: {  	_ =	shalt  }
0x52: {  	_ =	shalt  }
0x53: {  	_ =	shalt  }
0x54: {  	_ =	shalt  }
0x55: {  	_ =	shalt  }
0x56: {  	_ =	shalt  }
0x57: {  	_ =	shalt  }
0x58: {  	_ =	shalt  }
0x59: {  	_ =	shalt  }
0x5a: {  	_ =	shalt  }
0x5b: {  	_ =	shalt  }
0x5c: {  	_ =	shalt  }
0x5d: {  	_ =	shalt  }
0x5e: {  	_ =	shalt  }
0x5f: {  	_ =	shalt  }
0x60: {  	_ =	shalt  }
0x61: {  	_ =	shalt  }
0x62: {  	_ =	shalt  }
0x63: {  	_ =	shalt  }
0x64: {  	_ =	shalt  }
0x65: {  	_ =	shalt  }
0x66: {  	_ =	shalt  }
0x67: {  	_ =	shalt  }
0x68: {  	_ =	shalt  }
0x69: {  	_ =	shalt  }
0x6a: {  	_ =	shalt  }
0x6b: {  	_ =	shalt  }
0x6c: {  	_ =	shalt  }
0x6d: {  	_ =	shalt  }
0x6e: {  	_ =	shalt  }
0x6f: {  	_ =	shalt  }
0x70: {  	_ =	shalt  }
0x71: {  	_ =	shalt  }
0x72: {  	_ =	shalt  }
0x73: {  	_ =	shalt  }
0x74: {  	_ =	shalt  }
0x75: {  	_ =	shalt  }
0x76: {  	_ =	shalt  }
0x77: {  	_ =	shalt  }
0x78: {  	_ =	shalt  }
0x79: {  	_ =	shalt  }
0x7a: {  	_ =	shalt  }
0x7b: {  	_ =	shalt  }
0x7c: {  	_ =	shalt  }
0x7d: {  	_ =	shalt  }
0x7e: {  	_ =	shalt  }
0x7f: {  	_ =	shalt  }
0x80: {  	_ =	shalt  }
0x81: {  	_ =	shalt  }
0x82: {  	_ =	shalt  }
0x83: {  	_ =	shalt  }
0x84: {  	_ =	shalt  }
0x85: {  	_ =	shalt  }
0x86: {  	_ =	shalt  }
0x87: {  	_ =	shalt  }
.Lfunc_end0:
.L_simem_size_0:
called_computation_lowered:
.L_overlay_start_0:
0x88: {  	s2 =	sld [smem:$0x3FD9]  }
0x89: {  	s3 =	sld [smem:$0x3FFE];
	_ =	sdelay $0x1  }
0x8a: {  	s1 =	srdreg.scid  }
0x8b: {  	s0 =	sand.u32 $0x1, s1  }
0x8c: {  	s17 =	sshll.u32 s0, $0xA;
	s2 =	sadd.s32 s3, s2  }
0x8d: {  	s2 =	sadd.s32 s2, s17  }
0x8e: {  	[smem:$0x3FC4] =	sst s2  }
0x8f: {  	_ = 	snop  }
0x90: {  	s2 =	sld [smem:$0x3FC9]  }
0x91: {  	s18 =	sld [smem:$0x3FD0];
	(tm) =	ssettm $0x1  }
0x92: {  	s4 =	sld [smem:$0x3FFB];
	_ =	sdelay $0x3  }
0x93: {  	_ =	strace s4  }
0x94: {  	s4 =	sld [smem:$0x3FFC];
	_ =	sdelay $0x3  }
0x95: {  	_ =	strace s4  }
0x96: {  	s4 =	sld [smem:$0x3FFD];
	_ =	sdelay $0x3  }
0x97: {  	_ =	strace s4  }
0x98: {  	_ =	strace $0x8FFFFFFF  }
0x99: {  	s19 =	sld [smem:$0x3FDB];
	_ =	sdelay $0x1  }
0x9a: {  	s5 =	simm.s32 $_scs_section_size  }
0x9b: {  	s6 =	simm.s32 $_size__tile_overlayer_lowered;
	s7 =	simm.s32 $_tile_overlayer_lowered  }
0x9c: {  	s22 =	simm.s32 $0x1BFF;
	s21 =	sshll.u32 s7, $0x1;
	s4 =	sadd.s32 s5, s19  }
0x9d: {  	s8 =	simm.s32 $0x0;
	s20 =	sshll.u32 s6, $0x1;
	s6 =	sadd.s32 s21, s4  }
0x9e: {  	[timem:s8], [sflag:s22] =	dma.local [hbm:s6], s20  }
0x9f: {  	_ =	swait.ge [sflag:s22], s20  }
0xa0: {  	s5 =	ssub.s32 $0x0, s20;
	[sflag:s22] =	ssyncset.done $0x0  }
0xa1: {  	[sflag:s22] =	ssyncadd.s32 s5;
	_ =	sdelay $0x1  }
0xa2: {  	s23 =	simm.s32 $0x1B8B  }
0xa3: {  	_ =	swait.ge [sflag:s23], $0x1  }
0xa4: {  	[sflag:s23] =	ssyncset.done $0x0  }
0xa5: {  	s25 =	simm.s32 $0x1B8E;
	s24 =	sld [smem:$0x3FFE];
	[sflag:s23] =	ssyncadd.s32 $0xFFFFFFFF  }
0xa6: {  	s26 =	simm.s32 $execute0_lowered;
	[smem:$0x3FD2] =	sst s25  }
0xa7: {  	s6 =	sshll.u32 s26, $0x1;
	_ =	strace $0x80000046;
	[dreg:$0x1] =	wrdreg $0xFFFFFFFF  }
0xa8: {  	s28 =	simm.s32 $_size_execute0_lowered;
	s4 =	sadd.s32 s4, s6;
	[dreg:$0x0] =	wrdreg $0x0  }
0xa9: {  	s6 =	sshll.u32 s28, $0x1;
	[dreg:$0x2] =	wrdreg s4  }
0xaa: {  	[dreg:$0x3] =	wrdreg s6  }
0xab: {  	[dreg:$0x4] =	wrdreg $0xC0  }
0xac: {  	_ =	task [dreg:s8], $0x5FFFF  }
0xad: {  	[dreg:$0x1] =	wrdreg $0xFFFFFFFF  }
0xae: {  	[dreg:$0x0] =	wrdreg $0x60  }
0xaf: {  	[dreg:$0x2] =	wrdreg s2  }
0xb0: {  	[dreg:$0x3] =	wrdreg s24  }
0xb1: {  	[dreg:$0x4] =	wrdreg s18  }
0xb2: {  	[dreg:$0x5] =	wrdreg $0x0  }
0xb3: {  	[dreg:$0x6] =	wrdreg $0x138800  }
0xb4: {  	[dreg:$0x7] =	wrdreg $0x13B000  }
0xb5: {  	[dreg:$0x8] =	wrdreg $0x9  }
0xb6: {  	_ =	task.clear_ibuf [dreg:s8], $0x9FFFF;
	_ =	strace $0x90000046  }
0xb7: {  	s29 =	simm.s32 $0x9;
	_ =	strace $0x80000048  }
0xb8: {  	_ =	swait.ge [sflag:s29], $0x1  }
0xb9: {  	[sflag:s29] =	ssyncadd.s32 $0xFFFFFFFF  }
0xba: {  	_ =	strace $0x90000048  }
0xbb: {  	_ =	sfence  }
0xbc: {  	s30 =	sld [smem:$0x0];
	_ =	sdelay $0x2  }
0xbd: {  	s31 =	sshll.u32 s1, $0xD;
	s1 =	sshrl.u32 s1, $0x2  }
0xbe: {  	s3 =	sand.u32 $0x4000, s31;
	s1 =	sadd.s32 s1, s30  }
0xbf: {  	s0 =	sor.u32 s3, s0;
	s1 =	sshll.u32 s1, $0x11  }
0xc0: {  	s0 =	sor.u32 s1, s0  }
0xc1: {  	s0 =	sadd.s32 $0x8F2B, s0  }
0xc2: {  	[sflag:s0] =	ssyncadd.remote.s32 $0x1  }
0xc3: {  	_ =	sfence.sel $0xFFFF  }
0xc4: {  	[dreg:$0x0] =	wrdreg $0xFFFFFFFF;
	(pc) =	sbr.abs _section_cstart, $3  }
0xc5: {  	[dreg:$0x1] =	wrdreg $0xFFFFFFFF  }
0xc6: {  	_ =	task.clear_ibuf [dreg:s8], $0x2FFFF;
	_ =	strace $0x9FFFFFFF  }
0xc7: {  	(tm) =	ssettm $0x7FFFFFFF  }
tec
execute0_lowered:
.L_overlay_start_1:
0x0: {  	(tag) =	ssettag $0x1  }
0x1: {  	s1 =	rddreg [dreg:$0x0]  }
0x2: {  	s0 =	rddreg [dreg:$0x1]  }
0x3: {  	s2 =	rddreg [dreg:$0x2]  }
0x4: {  	s3 =	rddreg [dreg:$0x3]  }
0x5: {  	s4 =	rddreg [dreg:$0x4]  }
0x6: {  	s5 =	rddreg [dreg:$0x5];
	s18 =	stileid.u32  }
0x7: {  	s7 =	srdreg.scid;
	s6 =	simm.s32 $0x0;
	s28 =	simm.s32 $0x7D  }
0x8: {  	s29 =	simm.s32 $0x16580;
	s30 =	simm.s32 $0x1;
	s31 =	simm.s32 $0x16500  }
0x9: {  	s8 =	smul.u32 $0x280, s18;
	s7 =	sand.u32 $0x1, s7;
	[smem:$0x7FF] =	sst s6  }
0xa: {  	s11 =	sadd.s32 $0xB400, s0;
	s12 =	sadd.s32 $0x1400, s0;
	s21 =	sadd.s32 $0x15A00, s0  }
0xb: {  	s15 =	sadd.s32 $0x17000, s0;
	s23 =	smul.u32 $0x4E000, s18;
	s16 =	sshll.u32 s18, $0x1  }
0xc: {  	s17 =	smul.u32 $0x13800, s18;
	s25 =	sshll.u32 s18, $0x6;
	s26 =	sadd.s32 $0x138000, s3  }
0xd: {  	p0 =	sne.s32 s18, $0xF;
	s9 =	smul.u32 $0x2800, s7;
	_ =	strace $0x80000047  }
0xe: {  	[dreg:$0x7] =	wrdreg s21;
	s22 =	ssub.s32 $0x2, s7;
	s16 =	sor.u32 s7, s16  }
0xf: {  	s7 =	smul.u32 $0x138800, s7;
	[dreg:$0xa] =	wrdreg s26;
	s10 =	sshrl.u32 s8, $0x3  }
0x10: {  	s14 =	sshrl.u32 s22, $0x1;
	s24 =	sshrl.u32 s17, $0x3;
	s21 =	smul.u32 $0x500, s16  }
0x11: {  	s13 =	sadd.s32 s10, s0;
	s9 =	sadd.s32 s8, s9;
	s10 =	sshrl.u32 s23, $0x2  }
0x12: {  	s19 =	sadd.s32 s17, s7;
	s7 =	sshrl.u32 s7, $0x3;
	s10 =	sadd.s32 s10, s3  }
0x13: {  	s9 =	sshrl.u32 s9, $0x3;
	[dreg:$0x8] =	wrdreg s10;
	s10 =	sadd.s32 s2, s24  }
0x14: {  	s0 =	sadd.s32 s9, s0;
	s2 =	sadd.s32 $0x27000, s2;
	[dreg:$0x9] =	wrdreg s10  }
0x15: {  	s9 =	ssub.s32 s22, s14;
	s14 =	sadd.s32 s8, s4;
	[dreg:$0xb] =	wrdreg s2  }
0x16: {  	s7 =	sadd.s32 s15, s7;
	s8 =	sadd.s32 s8, s5;
	[dreg:$0xc] =	wrdreg s14  }
0x17: {  	s26 =	sadd.s32 $0x280, s21;
	s20 =	sadd.s32 $0x27000, s7;
	[dreg:$0xd] =	wrdreg s8  }
0x18: {  	s24 =	sadd.s32 s11, s21;
	s7 =	simm.s32 $0x0;
	[dreg:$0xf] =	wrdreg s20  }
0x19: {  	s10 =	sor.u32 $0x1C02, s25;
	s22 =	sadd.s32 $0x15C00, s0;
	[dreg:$0x13] =	wrdreg s24  }
0x1a: {  	s14 =	sadd.s32 $0x15400, s13;
	s0 =	sadd.s32 $0x16600, s0;
	[dreg:$0x10] =	wrdreg s22  }
0x1b: {  	s2 =	sshrl.u32 s19, $0x3;
	s23 =	smax.u32 s9, $0x1;
	[dreg:$0x11] =	wrdreg s0  }
0x1c: {  	s25 =	sadd.s32 s12, s21;
	s24 =	sadd.s32 s12, s26;
	[dreg:$0x12] =	wrdreg s23  }
0x1d: {  	s2 =	sadd.s32 s15, s2;
	[dreg:$0x14] =	wrdreg s25;
	s25 =	simm.s32 $0x2  }
0x1e: {  	s0 =	simm.s32 $0x1A580;
	[dreg:$0xe] =	wrdreg s2;
	s2 =	sadd.s32 s11, s26  }
0x1f: {  	s26 =	simm.s32 $0x1E580;
	[dreg:$0x15] =	wrdreg s2;
	s2 =	simm.s32 $0x15100  }
.LBB2_1:
0x20: {  	s8 =	rddreg [dreg:$0x8]  }
0x21: {  	s9 =	rddreg [dreg:$0x9];
	s8 =	sshrl.u32 s8, $0x3  }
0x22: {  	[spmem:s8], [sflag:s10] =	dma.local [hbm:s9], $0x2700  }
0x23: {  	_ =	swait.ge [sflag:s25], $0x2700  }
0x24: {  	[sflag:s25] =	ssyncset.done $0x0;
	s9 =	rddreg [dreg:$0xa]  }
0x25: {  	s11 =	rddreg [dreg:$0xb];
	[sflag:s25] =	ssyncadd.s32 $0xFFFFD900;
	s9 =	sshrl.u32 @!p0 s9, $0x3  }
0x26: {  	[spmem:s9], [sflag:s10] =	dma.local @!p0 [hbm:s11], $0x100  }
0x27: {  	s11 =	simm.s32 @!p0 $0x2  }
0x28: {  	_ =	swait.ge @!p0 [sflag:s11], $0x100  }
0x29: {  	[sflag:s11] =	ssyncset.done @!p0 $0x0;
	s18 =	rddreg [dreg:$0xc]  }
0x2a: {  	[sflag:s11] =	ssyncadd.s32 @!p0 $0xFFFFFF00;
	s11 =	sshrl.u32 s18, $0x3  }
0x2b: {  	[spmem:s11], [sflag:s10] =	dma.local [hbm:s14], $0x50  }
0x2c: {  	_ =	swait.ge [sflag:s25], $0x50  }
0x2d: {  	[sflag:s25] =	ssyncset.done $0x0;
	s12 =	rddreg [dreg:$0xd]  }
0x2e: {  	[sflag:s25] =	ssyncadd.s32 $0xFFFFFFB0;
	s12 =	sshrl.u32 s12, $0x3  }
0x2f: {  	[spmem:s12], [sflag:s10] =	dma.local [hbm:s14], $0x50  }
0x30: {  	_ =	swait.ge [sflag:s25], $0x50  }
0x31: {  	[sflag:s25] =	ssyncset.done $0x0  }
0x32: {  	s13 =	rddreg [dreg:$0x7];
	[sflag:s25] =	ssyncadd.s32 $0xFFFFFFB0  }
0x33: {  	[tilespmem:s26], [sflag:$0x2] =	stream.linear.gather [hbm4b:s13+s6], $0x80, $0x38;
	[tilespmem:$0x1E600] =	vst v63  }
0x34: {  	_ =	swait.ge [sflag:s25], $0x80  }
0x35: {  	[sflag:s25] =	ssyncset.done $0x0  }
0x36: {  	[sflag:s25] =	ssyncadd.s32 $0xFFFFFF80  }
0x37: {  	[bflag:$0x0] =	sbarrier.arrive $0xFFFF  }
0x38: {  	s15 =	simm.s32 $0x13D80;
	s19 =	rddreg [dreg:$0x13]  }
0x39: {  	[tilespmem:s15], [sflag:$0x2] =	stream.linear.gather [hbm4b:s19+s6], $0x1400, $0x38;
	[tilespmem:$0x1E600] =	vst v63  }
0x3a: {  	_ =	swait.ge [sflag:s25], $0x1400  }
0x3b: {  	[sflag:s25] =	ssyncset.done $0x0  }
0x3c: {  	s16 =	simm.s32 $0x15180;
	s20 =	rddreg [dreg:$0x14];
	[sflag:s25] =	ssyncadd.s32 $0xFFFFEC00  }
0x3d: {  	[tilespmem:s16], [sflag:$0x2] =	stream.linear.gather [hbm4b:s20+s6], $0x1400, $0x38;
	[tilespmem:$0x1E600] =	vst v63  }
0x3e: {  	s21 =	simm.s32 $0x10000;
	_ =	swait.ge [sflag:s25], $0x1400  }
0x3f: {  	s13 =	sand.u32 $0x10000, s21;
	[sflag:s25] =	ssyncset.done $0x0  }
0x40: {  	s17 =	sshrl.u32 s13, $0x2;
	[sflag:s25] =	ssyncadd.s32 $0xFFFFEC00  }
0x41: {  	[tilespmem:s29], [sflag:$0x1] =	stream.indirect.gather [hbm4b:s1+s28], $0x80, s15, s28, $0xb8;
	[tilespmem:$0x1E600] =	vst v63  }
0x42: {  	s18 =	simm.s32 $0x0;
	s13 =	simm.s32 $0x13E00;
	s17 =	sadd.s32 $0x16580, s17  }
0x43: {  	[tilespmem:s17], [sflag:$0x1] =	stream.indirect.gather [hbm4b:s1+s28], $0x80, s13, s28, $0xb8;
	[tilespmem:$0x1E600] =	vst v63  }
0x44: {  	s22 =	sand.u32 $0x10000, s18;
	_ =	swait.ge [sflag:s30], $0x3E80  }
0x45: {  	s17 =	sshrl.u32 s22, $0x2;
	[sflag:s30] =	ssyncset.done $0x0  }
0x46: {  	s17 =	sadd.s32 $0x16580, s17;
	[sflag:s30] =	ssyncadd.s32 $0xFFFFC180  }
0x47: {  	[spmem:s3] =	stream.indirect.scatter.add.f32 [tilespmem:s17], [sflag:$0x2], $0x80, s16, s28, $0xb8;
	[tilespmem:$0x1E600] =	vst v63  }
0x48: {  	_ =	swait.ge [sflag:s25], $0x3E80  }
0x49: {  	[sflag:s25] =	ssyncset.done $0x0  }
0x4a: {  	[sflag:s25] =	ssyncadd.s32 $0xFFFFC180  }
0x4b: {  	[spmem:s4] =	stream.indirect.scatter.add.f32 [tilespmem:s26], [sflag:$0x2], $0x1, s16, s28, $0xb8;
	[tilespmem:$0x1E600] =	vst v63  }
0x4c: {  	_ =	swait.ge [sflag:s25], $0x7D  }
0x4d: {  	s23 =	simm.s32 $0x20000;
	s18 =	simm.s32 $0x30000;
	[sflag:s25] =	ssyncset.done $0x0  }
0x4e: {  	s19 =	simm.s32 $0x10000;
	s17 =	sand.u32 $0x10000, s23;
	[sflag:s25] =	ssyncadd.s32 $0xFFFFFF83  }
0x4f: {  	[spmem:s5] =	stream.indirect.scatter.add.f32 [tilespmem:s26], [sflag:$0x2], $0x1, s15, s28, $0xb8;
	[tilespmem:$0x1E600] =	vst v63  }
0x50: {  	s20 =	sshrl.u32 s17, $0x2;
	s17 =	simm.s32 $0x13E80;
	_ =	swait.ge [sflag:s25], $0x7D  }
0x51: {  	s16 =	simm.s32 $0x13E80;
	s15 =	simm.s32 $0x15200;
	[sflag:s25] =	ssyncset.done $0x0  }
.LBB2_2:
0x52: {  	s20 =	sadd.s32 $0x16580, s20;
	[sflag:s25] =	ssyncadd.s32 $0xFFFFFF83;
	s21 =	smov.u32 s13  }
0x53: {  	s13 =	smov.u32 s16;
	s16 =	sadd.s32 $0x80, s16;
	s22 =	smov.u32 s18  }
0x54: {  	[tilespmem:s20], [sflag:$0x1] =	stream.indirect.gather [hbm4b:s1+s28], $0x80, s17, s28, $0xb8;
	[tilespmem:$0x1E600] =	vst v63  }
0x55: {  	s23 =	sadd.s32 $0x10000, s18;
	s17 =	sand.u32 $0x10000, s19;
	_ =	swait.ge [sflag:s30], $0x3E80  }
0x56: {  	p1 =	sne.s32 s18, $0x270000;
	s17 =	sshrl.u32 s17, $0x2;
	[sflag:s30] =	ssyncset.done $0x0  }
0x57: {  	s18 =	sadd.s32 $0x16580, s17;
	s17 =	smov.u32 s16;
	[sflag:s30] =	ssyncadd.s32 $0xFFFFC180  }
0x58: {  	[spmem:s3] =	stream.indirect.scatter.add.f32 [tilespmem:s18], [sflag:$0x2], $0x80, s15, s28, $0xb8;
	[tilespmem:$0x1E600] =	vst v63  }
0x59: {  	_ =	swait.ge [sflag:s25], $0x3E80  }
0x5a: {  	[sflag:s25] =	ssyncset.done $0x0  }
0x5b: {  	[sflag:s25] =	ssyncadd.s32 $0xFFFFC180  }
0x5c: {  	[spmem:s4] =	stream.indirect.scatter.add.f32 [tilespmem:s26], [sflag:$0x2], $0x1, s15, s28, $0xb8;
	[tilespmem:$0x1E600] =	vst v63  }
0x5d: {  	_ =	swait.ge [sflag:s25], $0x7D  }
.Ltmp0:
0x5e: {  	[sflag:s25] =	ssyncset.done $0x0;
	(pc) =	sbr.rel @p1 .LBB2_2-.Ltmp0, $4  }
0x5f: {  	s19 =	sadd.s32 $0xFFFF0000, s22;
	[sflag:s25] =	ssyncadd.s32 $0xFFFFFF83  }
0x60: {  	[spmem:s5] =	stream.indirect.scatter.add.f32 [tilespmem:s26], [sflag:$0x2], $0x1, s21, s28, $0xb8;
	[tilespmem:$0x1E600] =	vst v63  }
0x61: {  	s18 =	sand.u32 $0x10000, s22;
	s15 =	sadd.s32 $0x80, s15;
	_ =	swait.ge [sflag:s25], $0x7D  }
0x62: {  	s20 =	sshrl.u32 s18, $0x2;
	s18 =	smov.u32 s23;
	[sflag:s25] =	ssyncset.done $0x0  }
0x63: {  	s16 =	sadd.s32 $0x16580, s20;
	[sflag:s25] =	ssyncadd.s32 $0xFFFFFF83  }
0x64: {  	[tilespmem:s16], [sflag:$0x1] =	stream.indirect.gather [hbm4b:s1+s28], $0x80, s17, s28, $0xb8;
	[tilespmem:$0x1E600] =	vst v63  }
0x65: {  	s20 =	sand.u32 $0x10000, s19;
	_ =	swait.ge [sflag:s30], $0x3E80  }
0x66: {  	s16 =	sshrl.u32 s20, $0x2;
	[sflag:s30] =	ssyncset.done $0x0  }
0x67: {  	s16 =	sadd.s32 $0x16580, s16;
	[sflag:s30] =	ssyncadd.s32 $0xFFFFC180  }
0x68: {  	[spmem:s3] =	stream.indirect.scatter.add.f32 [tilespmem:s16], [sflag:$0x2], $0x80, s15, s28, $0xb8;
	[tilespmem:$0x1E600] =	vst v63  }
0x69: {  	_ =	swait.ge [sflag:s25], $0x3E80  }
0x6a: {  	[sflag:s25] =	ssyncset.done $0x0  }
0x6b: {  	[sflag:s25] =	ssyncadd.s32 $0xFFFFC180  }
0x6c: {  	[spmem:s4] =	stream.indirect.scatter.add.f32 [tilespmem:s26], [sflag:$0x2], $0x1, s15, s28, $0xb8;
	[tilespmem:$0x1E600] =	vst v63  }
0x6d: {  	_ =	swait.ge [sflag:s25], $0x7D  }
0x6e: {  	[sflag:s25] =	ssyncset.done $0x0  }
0x6f: {  	[sflag:s25] =	ssyncadd.s32 $0xFFFFFF83  }
0x70: {  	[spmem:s5] =	stream.indirect.scatter.add.f32 [tilespmem:s26], [sflag:$0x2], $0x1, s13, s28, $0xb8;
	[tilespmem:$0x1E600] =	vst v63  }
0x71: {  	_ =	swait.ge [sflag:s25], $0x7D  }
0x72: {  	[sflag:s25] =	ssyncset.done $0x0  }
0x73: {  	[sflag:s25] =	ssyncadd.s32 $0xFFFFFF83  }
0x74: {  	_ =	swait.ge [sflag:s30], $0x3E80  }
0x75: {  	[sflag:s30] =	ssyncset.done $0x0  }
0x76: {  	[sflag:s30] =	ssyncadd.s32 $0xFFFFC180  }
0x77: {  	[spmem:s3] =	stream.indirect.scatter.add.f32 [tilespmem:s0], [sflag:$0x2], $0x80, s31, s28, $0xb8;
	[tilespmem:$0x1E600] =	vst v63  }
0x78: {  	_ =	swait.ge [sflag:s25], $0x3E80  }
0x79: {  	[sflag:s25] =	ssyncset.done $0x0  }
0x7a: {  	[sflag:s25] =	ssyncadd.s32 $0xFFFFC180  }
0x7b: {  	[spmem:s4] =	stream.indirect.scatter.add.f32 [tilespmem:s26], [sflag:$0x2], $0x1, s31, s28, $0xb8;
	[tilespmem:$0x1E600] =	vst v63  }
0x7c: {  	_ =	swait.ge [sflag:s25], $0x7D  }
0x7d: {  	[sflag:s25] =	ssyncset.done $0x0  }
0x7e: {  	[sflag:s25] =	ssyncadd.s32 $0xFFFFFF83  }
0x7f: {  	[spmem:s5] =	stream.indirect.scatter.add.f32 [tilespmem:s26], [sflag:$0x2], $0x1, s2, s28, $0xb8;
	[tilespmem:$0x1E600] =	vst v63  }
0x80: {  	_ =	swait.ge [sflag:s25], $0x7D  }
0x81: {  	s18 =	simm.s32 $0x0;
	[sflag:s25] =	ssyncset.done $0x0  }
0x82: {  	s13 =	simm.s32 $0x13D80;
	s21 =	rddreg [dreg:$0x15];
	[sflag:s25] =	ssyncadd.s32 $0xFFFFFF83  }
0x83: {  	[tilespmem:s13], [sflag:$0x2] =	stream.linear.gather [hbm4b:s21+s18], $0x1400, $0x38;
	[tilespmem:$0x1E600] =	vst v63  }
0x84: {  	_ =	swait.ge [sflag:s25], $0x1400  }
0x85: {  	[sflag:s25] =	ssyncset.done $0x0  }
0x86: {  	s15 =	simm.s32 $0x15180;
	[sflag:s25] =	ssyncadd.s32 $0xFFFFEC00  }
0x87: {  	[tilespmem:s15], [sflag:$0x2] =	stream.linear.gather [hbm4b:s24+s18], $0x1400, $0x38;
	[tilespmem:$0x1E600] =	vst v63  }
0x88: {  	s16 =	simm.s32 $0x10000;
	_ =	swait.ge [sflag:s25], $0x1400  }
0x89: {  	s22 =	sand.u32 $0x10000, s16;
	[sflag:s25] =	ssyncset.done $0x0  }
0x8a: {  	s17 =	sshrl.u32 s22, $0x2;
	[sflag:s25] =	ssyncadd.s32 $0xFFFFEC00  }
0x8b: {  	[tilespmem:s29], [sflag:$0x1] =	stream.indirect.gather [hbm4b:s1+s28], $0x80, s13, s28, $0xb8;
	[tilespmem:$0x1E600] =	vst v63  }
0x8c: {  	s23 =	sadd.s32 $0x16580, s17;
	s17 =	simm.s32 $0x13E00  }
0x8d: {  	[tilespmem:s23], [sflag:$0x1] =	stream.indirect.gather [hbm4b:s1+s28], $0x80, s17, s28, $0xb8;
	[tilespmem:$0x1E600] =	vst v63  }
0x8e: {  	s18 =	sand.u32 $0x10000, s18;
	_ =	swait.ge [sflag:s30], $0x3E80  }
0x8f: {  	s18 =	sshrl.u32 s18, $0x2;
	[sflag:s30] =	ssyncset.done $0x0  }
0x90: {  	s18 =	sadd.s32 $0x16580, s18;
	[sflag:s30] =	ssyncadd.s32 $0xFFFFC180  }
0x91: {  	[spmem:s3] =	stream.indirect.scatter.add.f32 [tilespmem:s18], [sflag:$0x2], $0x80, s15, s28, $0xb8;
	[tilespmem:$0x1E600] =	vst v63  }
0x92: {  	_ =	swait.ge [sflag:s25], $0x3E80  }
0x93: {  	[sflag:s25] =	ssyncset.done $0x0  }
0x94: {  	[sflag:s25] =	ssyncadd.s32 $0xFFFFC180  }
0x95: {  	[spmem:s4] =	stream.indirect.scatter.add.f32 [tilespmem:s26], [sflag:$0x2], $0x1, s15, s28, $0xb8;
	[tilespmem:$0x1E600] =	vst v63  }
0x96: {  	_ =	swait.ge [sflag:s25], $0x7D  }
0x97: {  	[sflag:s25] =	ssyncset.done $0x0  }
.LBB2_4:
0x98: {  	p1 =	sne.s32 s16, $0x260000  }
0x99: {  	[sflag:s25] =	ssyncadd.s32 $0xFFFFFF83;
	s18 =	smov.u32 s16;
	s16 =	sadd.s32 $0x10000, s16  }
0x9a: {  	[spmem:s5] =	stream.indirect.scatter.add.f32 [tilespmem:s26], [sflag:$0x2], $0x1, s13, s28, $0xb8;
	[tilespmem:$0x1E600] =	vst v63  }
0x9b: {  	s19 =	sand.u32 $0x10000, s16;
	s13 =	smov.u32 s17;
	_ =	swait.ge [sflag:s25], $0x7D  }
0x9c: {  	s19 =	sshrl.u32 s19, $0x2;
	[sflag:s25] =	ssyncset.done $0x0  }
0x9d: {  	s17 =	sadd.s32 $0x80, s17;
	s19 =	sadd.s32 $0x16580, s19;
	[sflag:s25] =	ssyncadd.s32 $0xFFFFFF83  }
0x9e: {  	[tilespmem:s19], [sflag:$0x1] =	stream.indirect.gather [hbm4b:s1+s28], $0x80, s17, s28, $0xb8;
	[tilespmem:$0x1E600] =	vst v63  }
0x9f: {  	s18 =	sand.u32 $0x10000, s18;
	_ =	swait.ge [sflag:s30], $0x3E80  }
0xa0: {  	s15 =	sadd.s32 $0x80, s15;
	s18 =	sshrl.u32 s18, $0x2;
	[sflag:s30] =	ssyncset.done $0x0  }
0xa1: {  	s18 =	sadd.s32 $0x16580, s18;
	[sflag:s30] =	ssyncadd.s32 $0xFFFFC180  }
0xa2: {  	[spmem:s3] =	stream.indirect.scatter.add.f32 [tilespmem:s18], [sflag:$0x2], $0x80, s15, s28, $0xb8;
	[tilespmem:$0x1E600] =	vst v63  }
0xa3: {  	_ =	swait.ge [sflag:s25], $0x3E80  }
.Ltmp1:
0xa4: {  	[sflag:s25] =	ssyncset.done $0x0;
	(pc) =	sbr.rel @p1 .LBB2_4-.Ltmp1, $4  }
0xa5: {  	[sflag:s25] =	ssyncadd.s32 $0xFFFFC180  }
0xa6: {  	[spmem:s4] =	stream.indirect.scatter.add.f32 [tilespmem:s26], [sflag:$0x2], $0x1, s15, s28, $0xb8;
	[tilespmem:$0x1E600] =	vst v63  }
0xa7: {  	_ =	swait.ge [sflag:s25], $0x7D  }
0xa8: {  	[sflag:s25] =	ssyncset.done $0x0  }
0xa9: {  	[sflag:s25] =	ssyncadd.s32 $0xFFFFFF83  }
0xaa: {  	[spmem:s5] =	stream.indirect.scatter.add.f32 [tilespmem:s26], [sflag:$0x2], $0x1, s13, s28, $0xb8;
	[tilespmem:$0x1E600] =	vst v63  }
0xab: {  	_ =	swait.ge [sflag:s25], $0x7D  }
0xac: {  	[sflag:s25] =	ssyncset.done $0x0  }
0xad: {  	[sflag:s25] =	ssyncadd.s32 $0xFFFFFF83  }
0xae: {  	_ =	swait.ge [sflag:s30], $0x3E80  }
0xaf: {  	[sflag:s30] =	ssyncset.done $0x0  }
0xb0: {  	[sflag:s30] =	ssyncadd.s32 $0xFFFFC180  }
0xb1: {  	[spmem:s3] =	stream.indirect.scatter.add.f32 [tilespmem:s0], [sflag:$0x2], $0x80, s31, s28, $0xb8;
	[tilespmem:$0x1E600] =	vst v63  }
0xb2: {  	_ =	swait.ge [sflag:s25], $0x3E80  }
0xb3: {  	[sflag:s25] =	ssyncset.done $0x0  }
0xb4: {  	[sflag:s25] =	ssyncadd.s32 $0xFFFFC180  }
0xb5: {  	[spmem:s4] =	stream.indirect.scatter.add.f32 [tilespmem:s26], [sflag:$0x2], $0x1, s31, s28, $0xb8;
	[tilespmem:$0x1E600] =	vst v63  }
0xb6: {  	_ =	swait.ge [sflag:s25], $0x7D  }
0xb7: {  	[sflag:s25] =	ssyncset.done $0x0  }
0xb8: {  	[sflag:s25] =	ssyncadd.s32 $0xFFFFFF83  }
0xb9: {  	[spmem:s5] =	stream.indirect.scatter.add.f32 [tilespmem:s26], [sflag:$0x2], $0x1, s2, s28, $0xb8;
	[tilespmem:$0x1E600] =	vst v63  }
0xba: {  	_ =	swait.ge [sflag:s25], $0x7D  }
0xbb: {  	[sflag:s25] =	ssyncset.done $0x0  }
0xbc: {  	[sflag:s25] =	ssyncadd.s32 $0xFFFFFF83  }
0xbd: {  	[bflag:$0x0] =	sbarrier.arrive $0xFFFF  }
0xbe: {  	s20 =	rddreg [dreg:$0xe]  }
0xbf: {  	[hbm:s20], [sflag:s10] =	dma.local [spmem:s8], $0x2700  }
0xc0: {  	_ =	swait.ge [sflag:s25], $0x2700  }
0xc1: {  	[sflag:s25] =	ssyncset.done $0x0  }
0xc2: {  	s8 =	rddreg [dreg:$0xf];
	[sflag:s25] =	ssyncadd.s32 $0xFFFFD900  }
0xc3: {  	[hbm:s8], [sflag:s10] =	dma.local @!p0 [spmem:s9], $0x100  }
0xc4: {  	s8 =	simm.s32 @!p0 $0x2  }
0xc5: {  	_ =	swait.ge @!p0 [sflag:s8], $0x100  }
0xc6: {  	[sflag:s8] =	ssyncset.done @!p0 $0x0  }
0xc7: {  	s21 =	rddreg [dreg:$0x10];
	[sflag:s8] =	ssyncadd.s32 @!p0 $0xFFFFFF00  }
0xc8: {  	[hbm:s21], [sflag:s10] =	dma.local [spmem:s11], $0x50  }
0xc9: {  	_ =	swait.ge [sflag:s25], $0x50  }
0xca: {  	[sflag:s25] =	ssyncset.done $0x0  }
0xcb: {  	s22 =	rddreg [dreg:$0x11];
	[sflag:s25] =	ssyncadd.s32 $0xFFFFFFB0  }
0xcc: {  	[hbm:s22], [sflag:s10] =	dma.local [spmem:s12], $0x50  }
0xcd: {  	_ =	swait.ge [sflag:s25], $0x50  }
0xce: {  	s7 =	sadd.s32 $0x1, s7;
	s23 =	rddreg [dreg:$0x12]  }
0xcf: {  	p1 =	sne.s32 s7, s23  }
.Ltmp2:
0xd0: {  	_ = 	snop;
	(pc) =	sbr.rel @p1 .LBB2_1-.Ltmp2, $3  }
0xd1: {  	_ =	sdelay $0x1  }
0xd2: {  	[sflag:s25] =	ssyncset.done $0x0  }
0xd3: {  	[sflag:s25] =	ssyncadd.s32 $0xFFFFFFB0  }
0xd4: {  	_ =	sfence.sel $0x180000  }
0xd5: {  	[bflag:$0x0] =	sbarrier.arrive $0xFFFF  }
0xd6: {  	_ =	strace $0x90000047  }
0xd7: {  	s0 =	stileid.u32;
	[bflag:$0x2] =	sbarrier.arrive $0xFFFF  }
0xd8: {  	p0 =	sne.s32 s0, $0x0;
	s0 =	rddreg [dreg:$0x6]  }
0xd9: {  	s0 =	sadd.s32 @!p0 $0x100000, s0  }
0xda: {  	[sflag:s0] =	ssyncadd.tile.s32 @!p0 $0x1;
	_ =	shalt  }
.Lfunc_end2:
_tile_overlayer_lowered:
.L_overlay_start_2:
0xdb: {  	(tag) =	ssettag $0x2  }
0xdc: {  	s0 =	rddreg [dreg:$0x0];
	s2 =	stileid.u32  }
0xdd: {  	s1 =	rddreg [dreg:$0x1];
	p0 =	sne.s32 s2, $0x0  }
0xde: {  	s3 =	rddreg [dreg:$0x2];
	[bflag:$0x3] =	sbarrier.arrive $0xFFFF;
	s2 =	simm.s32 @!p0 $0x1C02  }
0xdf: {  	[timem:s3], [sflag:s2] =	dma.local @!p0 [hbm:s0], s1  }
0xe0: {  	s0 =	simm.s32 @!p0 $0x2  }
0xe1: {  	_ =	swait.ge @!p0 [sflag:s0], s1  }
0xe2: {  	s1 =	ssub.s32 @!p0 $0x0, s1;
	[sflag:s0] =	ssyncset.done @!p0 $0x0  }
0xe3: {  	[sflag:s0] =	ssyncadd.s32 @!p0 s1  }
0xe4: {  	[bflag:$0x3] =	sbarrier.arrive $0xFFFF  }
0xe5: {  	_ =	shalt  }

// kernel: kernel.9.cloned.1.call-start
scs
__scs_entry_jumppad:
0x0: {  	(pc) =	sbr.rel $0x88, $3  }
0x1: {  	(tag) =	ssettag $0x0;
	lr =	simm.s32 $0x1  }
0x2: {  	[smem:$0x3F9D] =	sst lr;
	_ =	strace $0xD0000000  }
0x3: {  	_ = 	snop  }
0x4: {  	_ = 	snop  }
0x5: {  	_ = 	snop  }
0x6: {  	_ = 	snop  }
0x7: {  	_ = 	snop  }
__scs_overlays_trampoline_lowered:
0x8: {  	[smem:$0x3FAC] =	sst s0  }
0x9: {  	[smem:$0x3FAD] =	sst s1  }
0xa: {  	[smem:$0x3FAE] =	sst s2  }
0xb: {  	[smem:$0x3FAF] =	sst s3  }
0xc: {  	[smem:$0x3FB0] =	sst s4  }
0xd: {  	[smem:$0x3FB1] =	sst s5  }
0xe: {  	[smem:$0x3FB2] =	sst s6  }
0xf: {  	[smem:$0x3FB3] =	sst s7  }
0x10: {  	[smem:$0x3FB4] =	sst s8  }
0x11: {  	[smem:$0x3FB5] =	sst s9;
	s0 =	simm.s32 @!p0 $0x0  }
0x12: {  	s1 =	sld [smem:$0x3F9B];
	s0 =	simm.s32 @p0 $0x1  }
0x13: {  	[smem:$0x3FB6] =	sst s0;
	s0 =	simm.s32 @!p1 $0x0  }
0x14: {  	s2 =	sld [smem:$0x3F9A];
	s0 =	simm.s32 @p1 $0x1  }
0x15: {  	[smem:$0x3FB7] =	sst s0;
	s0 =	simm.s32 @!p2 $0x0  }
0x16: {  	s3 =	sld [smem:$0x3FDB];
	s0 =	simm.s32 @p2 $0x1  }
0x17: {  	s4 =	simm.s32 $0x1BF5;
	[smem:$0x3FB9] =	sst s0  }
0x18: {  	s0 =	sld [smem:$0x3F9C];
	_ =	swait.ge [sflag:s4], $0x0  }
0x19: {  	s7 =	sld [smem:$0x3F9D]  }
0x1a: {  	s8 =	sadd.s32 $0xFFFFE003, lr  }
0x1b: {  	s9 =	sadd.s32 $0xFFFFFEF7, lr;
	s5 =	simm.s32 $0xFFFFFFFF;
	p2 =	slt.u32 s8, $0xFFFFF086  }
0x1c: {  	p1 =	slt.u32 s9, $0xF7A;
	s5 =	simm.s32 @!p2 $0x0  }
0x1d: {  	s5 =	simm.s32 @p1 $0x1;
	p0 =	seq.s32 s7, s2  }
0x1e: {  	s7 =	smul.u32 @!p0 $0xF7A, s2;
	p2 =	seq.s32 @!p0 s5, $0x0  }
0x1f: {  	s9 =	smul.u32 $0xF7A, s1;
	s8 =	simm.s32 @!p0 $0x1BF5;
	p2 =	por !p2, p0  }
0x20: {  	[sflag:s8] =	ssyncset.s32 @!p0 $0xFFFFF086;
	s6 =	sadd.s32 @!p0 s3, s7;
	s7 =	simm.s32 @!p0 $0x108  }
0x21: {  	s3 =	sadd.s32 s3, s9;
	s6 =	sadd.s32 @!p0 $0x88, s6;
	s7 =	simm.s32 @p2 $0x1082  }
0x22: {  	[simem:s7], [sflag:s8] =	dma.local @!p0 [hbm:s6], $0xF7A  }
0x23: {  	s9 =	sor.u32 $0xD0000000, s2;
	s6 =	simm.s32 $0x108;
	_ =	swait.ge @!p0 [sflag:s8], $0x0  }
0x24: {  	s3 =	sadd.s32 $0x88, s3;
	s6 =	simm.s32 @!p1 $0x1082;
	[sflag:s4] =	ssyncset.s32 $0xFFFFF086  }
0x25: {  	[simem:s6], [sflag:s4] =	dma.local [hbm:s3], $0xF7A  }
0x26: {  	[smem:$0x3F9D] =	sst s1;
	(tag) =	ssettag s2;
	_ =	strace s9  }
0x27: {  	s1 =	sld [smem:$0x3FAD]  }
0x28: {  	s2 =	sld [smem:$0x3FAE]  }
0x29: {  	s4 =	sld [smem:$0x3FB0]  }
0x2a: {  	p0 =	seq.s32 s5, $0x0;
	s5 =	sld [smem:$0x3FB1]  }
0x2b: {  	s6 =	sld [smem:$0x3FB2]  }
0x2c: {  	s7 =	sld [smem:$0x3FB3]  }
0x2d: {  	s3 =	simm.s32 $0x108;
	s8 =	sld [smem:$0x3FB4]  }
0x2e: {  	s3 =	simm.s32 @!p0 $0x1082;
	s9 =	sld [smem:$0x3FB5]  }
0x2f: {  	lr =	sadd.s32 s0, s3;
	s0 =	sld [smem:$0x3FAC]  }
0x30: {  	s3 =	sld [smem:$0x3FAF]  }
0x31: {  	[smem:$0x3FB8] =	sst s10  }
0x32: {  	s10 =	sld [smem:$0x3FB6];
	_ =	sdelay $0x3  }
0x33: {  	p0 =	seq.s32 s10, $0x1;
	s10 =	sld [smem:$0x3FB8];
	_ =	sdelay $0x3  }
0x34: {  	[smem:$0x3FB8] =	sst s10  }
0x35: {  	s10 =	sld [smem:$0x3FB7];
	_ =	sdelay $0x3  }
0x36: {  	p1 =	seq.s32 s10, $0x1;
	s10 =	sld [smem:$0x3FB8];
	_ =	sdelay $0x3  }
0x37: {  	[smem:$0x3FB8] =	sst s10  }
0x38: {  	s10 =	sld [smem:$0x3FB9]  }
0x39: {  	_ = 	snop;
	(pc) =	sbr.ind lr, $3  }
0x3a: {  	_ = 	snop  }
0x3b: {  	_ = 	snop  }
0x3c: {  	p2 =	seq.s32 s10, $0x1;
	s10 =	sld [smem:$0x3FB8]  }
0x3d: {  	_ =	shalt  }
0x3e: {  	_ =	shalt  }
0x3f: {  	_ =	shalt  }
0x40: {  	_ =	shalt  }
0x41: {  	_ =	shalt  }
0x42: {  	_ =	shalt  }
0x43: {  	_ =	shalt  }
0x44: {  	_ =	shalt  }
0x45: {  	_ =	shalt  }
0x46: {  	_ =	shalt  }
0x47: {  	_ =	shalt  }
0x48: {  	_ =	shalt  }
0x49: {  	_ =	shalt  }
0x4a: {  	_ =	shalt  }
0x4b: {  	_ =	shalt  }
0x4c: {  	_ =	shalt  }
0x4d: {  	_ =	shalt  }
0x4e: {  	_ =	shalt  }
0x4f: {  	_ =	shalt  }
0x50: {  	_ =	shalt  }
0x51: {  	_ =	shalt  }
0x52: {  	_ =	shalt  }
0x53: {  	_ =	shalt  }
0x54: {  	_ =	shalt  }
0x55: {  	_ =	shalt  }
0x56: {  	_ =	shalt  }
0x57: {  	_ =	shalt  }
0x58: {  	_ =	shalt  }
0x59: {  	_ =	shalt  }
0x5a: {  	_ =	shalt  }
0x5b: {  	_ =	shalt  }
0x5c: {  	_ =	shalt  }
0x5d: {  	_ =	shalt  }
0x5e: {  	_ =	shalt  }
0x5f: {  	_ =	shalt  }
0x60: {  	_ =	shalt  }
0x61: {  	_ =	shalt  }
0x62: {  	_ =	shalt  }
0x63: {  	_ =	shalt  }
0x64: {  	_ =	shalt  }
0x65: {  	_ =	shalt  }
0x66: {  	_ =	shalt  }
0x67: {  	_ =	shalt  }
0x68: {  	_ =	shalt  }
0x69: {  	_ =	shalt  }
0x6a: {  	_ =	shalt  }
0x6b: {  	_ =	shalt  }
0x6c: {  	_ =	shalt  }
0x6d: {  	_ =	shalt  }
0x6e: {  	_ =	shalt  }
0x6f: {  	_ =	shalt  }
0x70: {  	_ =	shalt  }
0x71: {  	_ =	shalt  }
0x72: {  	_ =	shalt  }
0x73: {  	_ =	shalt  }
0x74: {  	_ =	shalt  }
0x75: {  	_ =	shalt  }
0x76: {  	_ =	shalt  }
0x77: {  	_ =	shalt  }
0x78: {  	_ =	shalt  }
0x79: {  	_ =	shalt  }
0x7a: {  	_ =	shalt  }
0x7b: {  	_ =	shalt  }
0x7c: {  	_ =	shalt  }
0x7d: {  	_ =	shalt  }
0x7e: {  	_ =	shalt  }
0x7f: {  	_ =	shalt  }
0x80: {  	_ =	shalt  }
0x81: {  	_ =	shalt  }
0x82: {  	_ =	shalt  }
0x83: {  	_ =	shalt  }
0x84: {  	_ =	shalt  }
0x85: {  	_ =	shalt  }
0x86: {  	_ =	shalt  }
0x87: {  	_ =	shalt  }
.Lfunc_end0:
.L_simem_size_0:
called_computation.1_lowered:
.L_overlay_start_0:
0x88: {  	s2 =	sld [smem:$0x3FD9]  }
0x89: {  	s3 =	sld [smem:$0x3FFE];
	_ =	sdelay $0x1  }
0x8a: {  	s1 =	srdreg.scid  }
0x8b: {  	s0 =	sand.u32 $0x1, s1  }
0x8c: {  	s17 =	sshll.u32 s0, $0xA;
	s2 =	sadd.s32 s3, s2  }
0x8d: {  	s2 =	sadd.s32 s2, s17  }
0x8e: {  	[smem:$0x3FC4] =	sst s2  }
0x8f: {  	_ = 	snop  }
0x90: {  	s2 =	sld [smem:$0x3FD0];
	(tm) =	ssettm $0x1  }
0x91: {  	s18 =	sld [smem:$0x3FFB];
	_ =	sdelay $0x3  }
0x92: {  	_ =	strace s18  }
0x93: {  	s3 =	sld [smem:$0x3FFC];
	_ =	sdelay $0x3  }
0x94: {  	_ =	strace s3  }
0x95: {  	s3 =	sld [smem:$0x3FFD];
	_ =	sdelay $0x3  }
0x96: {  	_ =	strace s3  }
0x97: {  	_ =	strace $0x8FFFFFFF  }
0x98: {  	s19 =	sld [smem:$0x3FDB];
	_ =	sdelay $0x1  }
0x99: {  	s4 =	simm.s32 $_scs_section_size  }
0x9a: {  	s5 =	simm.s32 $_size__tile_overlayer_lowered;
	s6 =	simm.s32 $_tile_overlayer_lowered  }
0x9b: {  	s22 =	simm.s32 $0x1BFF;
	s21 =	sshll.u32 s6, $0x1;
	s3 =	sadd.s32 s4, s19  }
0x9c: {  	s7 =	simm.s32 $0x0;
	s20 =	sshll.u32 s5, $0x1;
	s5 =	sadd.s32 s21, s3  }
0x9d: {  	[timem:s7], [sflag:s22] =	dma.local [hbm:s5], s20  }
0x9e: {  	_ =	swait.ge [sflag:s22], s20  }
0x9f: {  	s4 =	ssub.s32 $0x0, s20;
	[sflag:s22] =	ssyncset.done $0x0  }
0xa0: {  	[sflag:s22] =	ssyncadd.s32 s4;
	_ =	sdelay $0x1  }
0xa1: {  	s23 =	simm.s32 $0x1B8B  }
0xa2: {  	_ =	swait.ge [sflag:s23], $0x1  }
0xa3: {  	[sflag:s23] =	ssyncset.done $0x0  }
0xa4: {  	s25 =	simm.s32 $0x1B8E;
	s24 =	sld [smem:$0x3FFE];
	[sflag:s23] =	ssyncadd.s32 $0xFFFFFFFF  }
0xa5: {  	s26 =	simm.s32 $execute0_lowered;
	[smem:$0x3FD2] =	sst s25  }
0xa6: {  	s5 =	sshll.u32 s26, $0x1;
	_ =	strace $0x80000049;
	[dreg:$0x1] =	wrdreg $0xFFFFFFFF  }
0xa7: {  	s28 =	simm.s32 $_size_execute0_lowered;
	s3 =	sadd.s32 s3, s5;
	[dreg:$0x0] =	wrdreg $0x0  }
0xa8: {  	s5 =	sshll.u32 s28, $0x1;
	[dreg:$0x2] =	wrdreg s3  }
0xa9: {  	[dreg:$0x3] =	wrdreg s5  }
0xaa: {  	[dreg:$0x4] =	wrdreg $0xC0  }
0xab: {  	_ =	task [dreg:s7], $0x5FFFF  }
0xac: {  	[dreg:$0x1] =	wrdreg $0xFFFFFFFF  }
0xad: {  	[dreg:$0x0] =	wrdreg $0x60  }
0xae: {  	[dreg:$0x2] =	wrdreg s24  }
0xaf: {  	[dreg:$0x3] =	wrdreg s2  }
0xb0: {  	[dreg:$0x4] =	wrdreg $0x0  }
0xb1: {  	[dreg:$0x5] =	wrdreg $0x9  }
0xb2: {  	_ =	task.clear_ibuf [dreg:s7], $0x6FFFF;
	_ =	strace $0x90000049  }
0xb3: {  	s29 =	simm.s32 $0x9;
	_ =	strace $0x8000004B  }
0xb4: {  	_ =	swait.ge [sflag:s29], $0x1  }
0xb5: {  	[sflag:s29] =	ssyncadd.s32 $0xFFFFFFFF  }
0xb6: {  	_ =	strace $0x9000004B  }
0xb7: {  	_ =	sfence  }
0xb8: {  	s30 =	sld [smem:$0x0];
	_ =	sdelay $0x2  }
0xb9: {  	s31 =	sshll.u32 s1, $0xD;
	s1 =	sshrl.u32 s1, $0x2  }
0xba: {  	s3 =	sand.u32 $0x4000, s31;
	s1 =	sadd.s32 s1, s30  }
0xbb: {  	s0 =	sor.u32 s3, s0;
	s1 =	sshll.u32 s1, $0x11  }
0xbc: {  	s0 =	sor.u32 s1, s0  }
0xbd: {  	s0 =	sadd.s32 $0x8F2B, s0  }
0xbe: {  	[sflag:s0] =	ssyncadd.remote.s32 $0x1  }
0xbf: {  	_ =	sfence.sel $0xFFFF  }
0xc0: {  	[dreg:$0x0] =	wrdreg $0xFFFFFFFF;
	(pc) =	sbr.abs _section_cstart, $3  }
0xc1: {  	[dreg:$0x1] =	wrdreg $0xFFFFFFFF  }
0xc2: {  	_ =	task.clear_ibuf [dreg:s7], $0x2FFFF;
	_ =	strace $0x9FFFFFFF  }
0xc3: {  	(tm) =	ssettm $0x7FFFFFFF  }
tec
execute0_lowered:
.L_overlay_start_1:
0x0: {  	(tag) =	ssettag $0x1  }
0x1: {  	s5 =	rddreg [dreg:$0x0]  }
0x2: {  	s7 =	rddreg [dreg:$0x1]  }
0x3: {  	s1 =	rddreg [dreg:$0x2];
	s2 =	simm.s32 $0x0;
	s6 =	srdreg.scid  }
0x4: {  	s3 =	stileid.u32;
	s18 =	simm.s32 $0x13880;
	s19 =	simm.s32 $0x7D  }
0x5: {  	s20 =	simm.s32 $0x16080;
	s21 =	simm.s32 $0x1;
	[smem:$0x7FF] =	sst s2  }
0x6: {  	s4 =	sadd.s32 $0x15400, s5;
	s13 =	sadd.s32 $0x1400, s5;
	s6 =	sand.u32 $0x1, s6  }
0x7: {  	s14 =	sadd.s32 $0xB400, s5;
	s9 =	smul.u32 $0x4E000, s3;
	s11 =	sshll.u32 s3, $0x1  }
0x8: {  	s12 =	smul.u32 $0x13800, s3;
	s15 =	sadd.s32 $0x3C600, s5;
	s26 =	sshll.u32 s3, $0x6  }
0x9: {  	s17 =	sadd.s32 $0x138000, s1;
	p0 =	sne.s32 s3, $0xF;
	_ =	strace $0x8000004A  }
0xa: {  	s8 =	ssub.s32 $0x2, s6;
	s22 =	sor.u32 s6, s11;
	s25 =	smul.u32 $0x138800, s6  }
0xb: {  	s6 =	sor.u32 $0x1C02, s26;
	s17 =	sshrl.u32 @!p0 s17, $0x3;
	s10 =	sshrl.u32 s8, $0x1  }
0xc: {  	s23 =	sshrl.u32 s9, $0x2;
	s24 =	sshrl.u32 s12, $0x3;
	s29 =	smul.u32 $0x500, s22  }
0xd: {  	s22 =	simm.s32 $0x16000;
	s10 =	ssub.s32 s8, s10;
	s16 =	sadd.s32 s23, s1  }
0xe: {  	s5 =	sadd.s32 s7, s24;
	s28 =	sadd.s32 s12, s25;
	s11 =	sshrl.u32 s25, $0x3  }
0xf: {  	s7 =	sadd.s32 $0x27000, s7;
	s23 =	simm.s32 $0x1A080;
	s24 =	simm.s32 $0x0  }
0x10: {  	s9 =	sshrl.u32 s28, $0x3;
	s30 =	sadd.s32 s15, s11;
	s10 =	smax.u32 s10, $0x1  }
0x11: {  	s31 =	sadd.s32 $0x280, s29;
	s11 =	sadd.s32 s13, s29;
	s12 =	sadd.s32 s14, s29  }
0x12: {  	s8 =	sadd.s32 s15, s9;
	s9 =	sadd.s32 $0x27000, s30;
	s13 =	sadd.s32 s13, s31  }
0x13: {  	s14 =	sadd.s32 s14, s31;
	s15 =	sshrl.u32 s16, $0x3;
	s16 =	simm.s32 $0x2  }
.LBB2_1:
0x14: {  	[spmem:s15], [sflag:s6] =	dma.local [hbm:s5], $0x2700  }
0x15: {  	_ =	swait.ge [sflag:s16], $0x2700  }
0x16: {  	[sflag:s16] =	ssyncset.done $0x0  }
0x17: {  	s25 =	simm.s32 @!p0 $0x2;
	[sflag:s16] =	ssyncadd.s32 $0xFFFFD900  }
0x18: {  	[spmem:s17], [sflag:s6] =	dma.local @!p0 [hbm:s7], $0x100  }
0x19: {  	_ =	swait.ge @!p0 [sflag:s25], $0x100  }
0x1a: {  	[sflag:s25] =	ssyncset.done @!p0 $0x0  }
0x1b: {  	[sflag:s25] =	ssyncadd.s32 @!p0 $0xFFFFFF00  }
0x1c: {  	[bflag:$0x0] =	sbarrier.arrive $0xFFFF  }
0x1d: {  	[tilespmem:s18], [sflag:$0x2] =	stream.linear.gather [hbm4b:s11+s2], $0x1400, $0x38;
	[tilespmem:$0x1E080] =	vst v63  }
0x1e: {  	_ =	swait.ge [sflag:s16], $0x1400  }
0x1f: {  	[sflag:s16] =	ssyncset.done $0x0  }
0x20: {  	s26 =	simm.s32 $0x14C80;
	[sflag:s16] =	ssyncadd.s32 $0xFFFFEC00  }
0x21: {  	[tilespmem:s26], [sflag:$0x2] =	stream.linear.gather [hbm4b:s12+s2], $0x1400, $0x38;
	[tilespmem:$0x1E080] =	vst v63  }
0x22: {  	s0 =	simm.s32 $0x10000;
	_ =	swait.ge [sflag:s16], $0x1400  }
0x23: {  	s25 =	sand.u32 $0x10000, s0;
	[sflag:s16] =	ssyncset.done $0x0  }
0x24: {  	s25 =	sshrl.u32 s25, $0x2;
	[sflag:s16] =	ssyncadd.s32 $0xFFFFEC00  }
0x25: {  	[tilespmem:s20], [sflag:$0x1] =	stream.indirect.gather [hbm4b:s4+s19], $0x80, s18, s19, $0xb8;
	[tilespmem:$0x1E080] =	vst v63  }
0x26: {  	s28 =	simm.s32 $0x13900;
	s29 =	simm.s32 $0x0;
	s25 =	sadd.s32 $0x16080, s25  }
0x27: {  	[tilespmem:s25], [sflag:$0x1] =	stream.indirect.gather [hbm4b:s4+s19], $0x80, s28, s19, $0xb8;
	[tilespmem:$0x1E080] =	vst v63  }
0x28: {  	s28 =	sand.u32 $0x10000, s29;
	_ =	swait.ge [sflag:s21], $0x3E80  }
0x29: {  	s25 =	simm.s32 $0x20000;
	s28 =	sshrl.u32 s28, $0x2;
	[sflag:s21] =	ssyncset.done $0x0  }
0x2a: {  	s31 =	sand.u32 $0x10000, s25;
	s28 =	sadd.s32 $0x16080, s28;
	[sflag:s21] =	ssyncadd.s32 $0xFFFFC180  }
0x2b: {  	[spmem:s1] =	stream.indirect.scatter.add.f32 [tilespmem:s28], [sflag:$0x2], $0x80, s26, s19, $0xb8;
	[tilespmem:$0x1E080] =	vst v63  }
0x2c: {  	s29 =	simm.s32 $0x30000;
	s30 =	sshrl.u32 s31, $0x2;
	_ =	swait.ge [sflag:s16], $0x3E80  }
0x2d: {  	s28 =	simm.s32 $0x13980;
	s26 =	simm.s32 $0x14D00;
	[sflag:s16] =	ssyncset.done $0x0  }
.LBB2_2:
0x2e: {  	s30 =	sadd.s32 $0x16080, s30;
	s31 =	sadd.s32 $0xFFFF0000, s25  }
0x2f: {  	[sflag:s16] =	ssyncadd.s32 $0xFFFFC180;
	s25 =	smov.u32 s29;
	s0 =	sadd.s32 $0x10000, s29  }
0x30: {  	[tilespmem:s30], [sflag:$0x1] =	stream.indirect.gather [hbm4b:s4+s19], $0x80, s28, s19, $0xb8;
	[tilespmem:$0x1E080] =	vst v63  }
0x31: {  	p1 =	sne.s32 s29, $0x270000;
	s30 =	sand.u32 $0x10000, s31;
	_ =	swait.ge [sflag:s21], $0x3E80  }
.Ltmp0:
0x32: {  	s30 =	sshrl.u32 s30, $0x2;
	[sflag:s21] =	ssyncset.done $0x0;
	(pc) =	sbr.rel @p1 .LBB2_2-.Ltmp0, $4  }
0x33: {  	s28 =	sadd.s32 $0x80, s28;
	s29 =	sadd.s32 $0x16080, s30;
	[sflag:s21] =	ssyncadd.s32 $0xFFFFC180  }
0x34: {  	[spmem:s1] =	stream.indirect.scatter.add.f32 [tilespmem:s29], [sflag:$0x2], $0x80, s26, s19, $0xb8;
	[tilespmem:$0x1E080] =	vst v63  }
0x35: {  	s29 =	sand.u32 $0x10000, s25;
	s26 =	sadd.s32 $0x80, s26;
	_ =	swait.ge [sflag:s16], $0x3E80  }
0x36: {  	s30 =	sshrl.u32 s29, $0x2;
	s29 =	smov.u32 s0;
	[sflag:s16] =	ssyncset.done $0x0  }
0x37: {  	s0 =	sadd.s32 $0x16080, s30;
	s25 =	sadd.s32 $0xFFFF0000, s25;
	[sflag:s16] =	ssyncadd.s32 $0xFFFFC180  }
0x38: {  	[tilespmem:s0], [sflag:$0x1] =	stream.indirect.gather [hbm4b:s4+s19], $0x80, s28, s19, $0xb8;
	[tilespmem:$0x1E080] =	vst v63  }
0x39: {  	s25 =	sand.u32 $0x10000, s25;
	_ =	swait.ge [sflag:s21], $0x3E80  }
0x3a: {  	s0 =	sshrl.u32 s25, $0x2;
	[sflag:s21] =	ssyncset.done $0x0  }
0x3b: {  	s0 =	sadd.s32 $0x16080, s0;
	[sflag:s21] =	ssyncadd.s32 $0xFFFFC180  }
0x3c: {  	[spmem:s1] =	stream.indirect.scatter.add.f32 [tilespmem:s0], [sflag:$0x2], $0x80, s26, s19, $0xb8;
	[tilespmem:$0x1E080] =	vst v63  }
0x3d: {  	_ =	swait.ge [sflag:s16], $0x3E80  }
0x3e: {  	[sflag:s16] =	ssyncset.done $0x0  }
0x3f: {  	[sflag:s16] =	ssyncadd.s32 $0xFFFFC180  }
0x40: {  	_ =	swait.ge [sflag:s21], $0x3E80  }
0x41: {  	[sflag:s21] =	ssyncset.done $0x0  }
0x42: {  	[sflag:s21] =	ssyncadd.s32 $0xFFFFC180  }
0x43: {  	[spmem:s1] =	stream.indirect.scatter.add.f32 [tilespmem:s23], [sflag:$0x2], $0x80, s22, s19, $0xb8;
	[tilespmem:$0x1E080] =	vst v63  }
0x44: {  	_ =	swait.ge [sflag:s16], $0x3E80  }
0x45: {  	[sflag:s16] =	ssyncset.done $0x0  }
0x46: {  	s30 =	simm.s32 $0x0;
	[sflag:s16] =	ssyncadd.s32 $0xFFFFC180  }
0x47: {  	[tilespmem:s18], [sflag:$0x2] =	stream.linear.gather [hbm4b:s13+s30], $0x1400, $0x38;
	[tilespmem:$0x1E080] =	vst v63  }
0x48: {  	_ =	swait.ge [sflag:s16], $0x1400  }
0x49: {  	[sflag:s16] =	ssyncset.done $0x0  }
0x4a: {  	s25 =	simm.s32 $0x14C80;
	[sflag:s16] =	ssyncadd.s32 $0xFFFFEC00  }
0x4b: {  	[tilespmem:s25], [sflag:$0x2] =	stream.linear.gather [hbm4b:s14+s30], $0x1400, $0x38;
	[tilespmem:$0x1E080] =	vst v63  }
0x4c: {  	s28 =	simm.s32 $0x10000;
	_ =	swait.ge [sflag:s16], $0x1400  }
0x4d: {  	s31 =	sand.u32 $0x10000, s28;
	[sflag:s16] =	ssyncset.done $0x0  }
0x4e: {  	s29 =	sshrl.u32 s31, $0x2;
	[sflag:s16] =	ssyncadd.s32 $0xFFFFEC00  }
0x4f: {  	[tilespmem:s20], [sflag:$0x1] =	stream.indirect.gather [hbm4b:s4+s19], $0x80, s18, s19, $0xb8;
	[tilespmem:$0x1E080] =	vst v63  }
0x50: {  	s29 =	sadd.s32 $0x16080, s29;
	s26 =	simm.s32 $0x13900  }
0x51: {  	[tilespmem:s29], [sflag:$0x1] =	stream.indirect.gather [hbm4b:s4+s19], $0x80, s26, s19, $0xb8;
	[tilespmem:$0x1E080] =	vst v63  }
0x52: {  	s0 =	sand.u32 $0x10000, s30;
	_ =	swait.ge [sflag:s21], $0x3E80  }
0x53: {  	s29 =	sshrl.u32 s0, $0x2;
	[sflag:s21] =	ssyncset.done $0x0  }
.LBB2_4:
0x54: {  	s0 =	sadd.s32 $0x16080, s29;
	[sflag:s21] =	ssyncadd.s32 $0xFFFFC180  }
0x55: {  	s29 =	smov.u32 s28;
	s30 =	sadd.s32 $0x10000, s28;
	s26 =	sadd.s32 $0x80, s26  }
0x56: {  	[spmem:s1] =	stream.indirect.scatter.add.f32 [tilespmem:s0], [sflag:$0x2], $0x80, s25, s19, $0xb8;
	[tilespmem:$0x1E080] =	vst v63  }
0x57: {  	p1 =	sne.s32 s28, $0x260000;
	s0 =	sand.u32 $0x10000, s30;
	_ =	swait.ge [sflag:s16], $0x3E80  }
.Ltmp1:
0x58: {  	s0 =	sshrl.u32 s0, $0x2;
	[sflag:s16] =	ssyncset.done $0x0;
	(pc) =	sbr.rel @p1 .LBB2_4-.Ltmp1, $4  }
0x59: {  	s0 =	sadd.s32 $0x16080, s0;
	[sflag:s16] =	ssyncadd.s32 $0xFFFFC180  }
0x5a: {  	[tilespmem:s0], [sflag:$0x1] =	stream.indirect.gather [hbm4b:s4+s19], $0x80, s26, s19, $0xb8;
	[tilespmem:$0x1E080] =	vst v63  }
0x5b: {  	s25 =	sadd.s32 $0x80, s25;
	s0 =	sand.u32 $0x10000, s29;
	_ =	swait.ge [sflag:s21], $0x3E80  }
0x5c: {  	s28 =	smov.u32 s30;
	s29 =	sshrl.u32 s0, $0x2;
	[sflag:s21] =	ssyncset.done $0x0  }
0x5d: {  	s0 =	sadd.s32 $0x16080, s29;
	[sflag:s21] =	ssyncadd.s32 $0xFFFFC180  }
0x5e: {  	[spmem:s1] =	stream.indirect.scatter.add.f32 [tilespmem:s0], [sflag:$0x2], $0x80, s25, s19, $0xb8;
	[tilespmem:$0x1E080] =	vst v63  }
0x5f: {  	_ =	swait.ge [sflag:s16], $0x3E80  }
0x60: {  	[sflag:s16] =	ssyncset.done $0x0  }
0x61: {  	[sflag:s16] =	ssyncadd.s32 $0xFFFFC180  }
0x62: {  	_ =	swait.ge [sflag:s21], $0x3E80  }
0x63: {  	[sflag:s21] =	ssyncset.done $0x0  }
0x64: {  	[sflag:s21] =	ssyncadd.s32 $0xFFFFC180  }
0x65: {  	[spmem:s1] =	stream.indirect.scatter.add.f32 [tilespmem:s23], [sflag:$0x2], $0x80, s22, s19, $0xb8;
	[tilespmem:$0x1E080] =	vst v63  }
0x66: {  	_ =	swait.ge [sflag:s16], $0x3E80  }
0x67: {  	[sflag:s16] =	ssyncset.done $0x0  }
0x68: {  	[sflag:s16] =	ssyncadd.s32 $0xFFFFC180  }
0x69: {  	[bflag:$0x0] =	sbarrier.arrive $0xFFFF  }
0x6a: {  	[hbm:s8], [sflag:s6] =	dma.local [spmem:s15], $0x2700  }
0x6b: {  	s24 =	sadd.s32 $0x1, s24;
	_ =	swait.ge [sflag:s16], $0x2700  }
0x6c: {  	p1 =	sne.s32 s24, s10;
	[sflag:s16] =	ssyncset.done $0x0  }
.Ltmp2:
0x6d: {  	s0 =	simm.s32 @!p0 $0x2;
	[sflag:s16] =	ssyncadd.s32 $0xFFFFD900;
	(pc) =	sbr.rel @p1 .LBB2_1-.Ltmp2, $4  }
0x6e: {  	[hbm:s9], [sflag:s6] =	dma.local @!p0 [spmem:s17], $0x100  }
0x6f: {  	_ =	swait.ge @!p0 [sflag:s0], $0x100  }
0x70: {  	[sflag:s0] =	ssyncset.done @!p0 $0x0  }
0x71: {  	[sflag:s0] =	ssyncadd.s32 @!p0 $0xFFFFFF00  }
0x72: {  	_ =	sfence.sel $0x180000  }
0x73: {  	[bflag:$0x0] =	sbarrier.arrive $0xFFFF  }
0x74: {  	_ =	strace $0x9000004A  }
0x75: {  	[bflag:$0x2] =	sbarrier.arrive $0xFFFF  }
0x76: {  	p0 =	sne.s32 s3, $0x0;
	s0 =	rddreg [dreg:$0x3]  }
0x77: {  	s0 =	sadd.s32 @!p0 $0x100000, s0  }
0x78: {  	[sflag:s0] =	ssyncadd.tile.s32 @!p0 $0x1;
	_ =	shalt  }
.Lfunc_end2:
_tile_overlayer_lowered:
.L_overlay_start_2:
0x79: {  	(tag) =	ssettag $0x2  }
0x7a: {  	s0 =	rddreg [dreg:$0x0];
	s2 =	stileid.u32  }
0x7b: {  	s1 =	rddreg [dreg:$0x1];
	p0 =	sne.s32 s2, $0x0  }
0x7c: {  	s3 =	rddreg [dreg:$0x2];
	[bflag:$0x3] =	sbarrier.arrive $0xFFFF;
	s2 =	simm.s32 @!p0 $0x1C02  }
0x7d: {  	[timem:s3], [sflag:s2] =	dma.local @!p0 [hbm:s0], s1  }
0x7e: {  	s0 =	simm.s32 @!p0 $0x2  }
0x7f: {  	_ =	swait.ge @!p0 [sflag:s0], s1  }
0x80: {  	s1 =	ssub.s32 @!p0 $0x0, s1;
	[sflag:s0] =	ssyncset.done @!p0 $0x0  }
0x81: {  	[sflag:s0] =	ssyncadd.s32 @!p0 s1  }
0x82: {  	[bflag:$0x3] =	sbarrier.arrive $0xFFFF  }
0x83: {  	_ =	shalt  }

</sc_bundles>
